<compile_context>
chip_gen: v7x
topology: tpu7x:2x2x1
jax: 0.10.2.dev20260603
libtpu: 0.0.44.dev20260713+nightly
codegen_flags: <defaults>
</compile_context>

<pallas_src>
import functools

import jax
import jax.numpy as jnp
from jax import lax
from jax.experimental import pallas as pl
from jax.experimental.pallas import tpu as pltpu
from jax.experimental.pallas import tpu_sc as plsc

N_NODES = 10000
N_EDGES = 320000
D_FEAT = 128

NC = 2
NS = 16
HALF = N_NODES // NC
CH = 80
NCH = 250
E_PER_S = NCH * CH
N_LOC = 5120
RPT = N_LOC // NS
ZB = 64
NBUF = 2

_sc_mesh = plsc.VectorSubcoreMesh(core_axis_name="c", subcore_axis_name="s")


def _edge_body(hnorm_hbm, srcr_hbm, dstr_hbm, out_hbm,
               src_v, dst_v, *rest):
    rows = rest[:NBUF]
    r0 = rows[0]
    acc = rest[NBUF]
    gsems = rest[NBUF + 1:]
    cid = lax.axis_index("c")
    sid = lax.axis_index("s")

    zv = jnp.zeros((16,), jnp.float32)

    def zbody(i, _):
        for k in range(D_FEAT // 16):
            r0[i, pl.ds(k * 16, 16)] = zv
        return 0

    lax.fori_loop(0, ZB, zbody, 0)
    for k in range(RPT // ZB):
        pltpu.sync_copy(r0.at[pl.ds(0, ZB)],
                        acc.at[pl.ds(sid * RPT + k * ZB, ZB)])

    pltpu.sync_copy(srcr_hbm.at[sid], src_v)
    pltpu.sync_copy(dstr_hbm.at[cid, sid], dst_v)
    plsc.subcore_barrier()

    for k in range(NBUF):
        pltpu.async_copy(hnorm_hbm.at[src_v.at[k]], rows[k], gsems[k])

    def body(jj, _):
        for k in range(NBUF):
            j = NBUF * jj + k
            pltpu.make_async_copy(
                hnorm_hbm.at[src_v.at[j]], rows[k], gsems[k]).wait()
            pltpu.sync_copy(rows[k], acc.at[dst_v.at[j]], add=True)

            @pl.when(j + NBUF < NCH)
            def _():
                pltpu.async_copy(
                    hnorm_hbm.at[src_v.at[j + NBUF]], rows[k], gsems[k])

        return 0

    lax.fori_loop(0, NCH // NBUF, body, 0)

    plsc.subcore_barrier()
    pltpu.sync_copy(acc.at[pl.ds(sid * RPT, RPT)],
                    out_hbm.at[cid, pl.ds(sid * RPT, RPT)])


_edge_call = functools.partial(
    pl.kernel,
    out_type=jax.ShapeDtypeStruct((NC, N_LOC, D_FEAT), jnp.float32),
    mesh=_sc_mesh,
    scratch_types=[
        pltpu.VMEM((NCH, CH), jnp.int32),
        pltpu.VMEM((NCH, CH), jnp.int32),
    ] + [pltpu.VMEM((CH, D_FEAT), jnp.float32)] * NBUF + [
        pltpu.VMEM_SHARED((N_LOC, D_FEAT), jnp.float32),
    ] + [pltpu.SemaphoreType.DMA] * NBUF,
)(_edge_body)


ROWS_BLK = 2000
N_BLKS = N_NODES // ROWS_BLK


def _hnorm_body(h_ref, d_ref, o_ref):
    o_ref[...] = h_ref[...] / d_ref[...]


def _hnorm(hidden, degree):
    return pl.pallas_call(
        _hnorm_body,
        out_shape=jax.ShapeDtypeStruct((N_NODES, D_FEAT), jnp.float32),
        grid=(N_BLKS,),
        in_specs=[
            pl.BlockSpec((ROWS_BLK, D_FEAT), lambda i: (i, 0)),
            pl.BlockSpec((ROWS_BLK, 1), lambda i: (i, 0)),
        ],
        out_specs=pl.BlockSpec((ROWS_BLK, D_FEAT), lambda i: (i, 0)),
    )(hidden, degree)


APPLY_BLK = 1000
APPLY_PER_CORE = HALF // APPLY_BLK
N_APPLY_BLKS = N_NODES // APPLY_BLK


def _apply_body(stack_ref, p_ref, h_ref, wt_ref, b_ref, o_ref):
    red = p_ref[0] + h_ref[...]
    o_ref[:, :D_FEAT] = stack_ref[...]
    o_ref[:, D_FEAT:] = (
        jnp.dot(red, wt_ref[...], preferred_element_type=jnp.float32)
        + b_ref[...]
    )


def _apply(stack, partials, hidden, wt, b2):
    return pl.pallas_call(
        _apply_body,
        out_shape=jax.ShapeDtypeStruct((N_NODES, 2 * D_FEAT), jnp.float32),
        grid=(N_APPLY_BLKS,),
        in_specs=[
            pl.BlockSpec((APPLY_BLK, D_FEAT), lambda i: (i, 0)),
            pl.BlockSpec(
                (1, APPLY_BLK, D_FEAT),
                lambda i: (i // APPLY_PER_CORE, i % APPLY_PER_CORE, 0),
            ),
            pl.BlockSpec((APPLY_BLK, D_FEAT), lambda i: (i, 0)),
            pl.BlockSpec((D_FEAT, D_FEAT), lambda i: (0, 0)),
            pl.BlockSpec((1, D_FEAT), lambda i: (0, 0)),
        ],
        out_specs=pl.BlockSpec((APPLY_BLK, 2 * D_FEAT), lambda i: (i, 0)),
    )(stack, partials, hidden, wt, b2)


def kernel(hidden, degree, stack, W, b, edge_index):
    hnorm = _hnorm(hidden, degree)
    src = edge_index[0]
    dst = edge_index[1]
    trash = HALF + jnp.arange(N_EDGES, dtype=jnp.int32) % (N_LOC - HALF)
    d0 = jnp.where(dst < HALF, dst, trash)
    d1 = jnp.where(dst >= HALF, dst - HALF, trash)
    srcr = src.reshape(NS, NCH, CH)
    dstr = jnp.stack([d0, d1]).reshape(NC, NS, NCH, CH)
    partials = _edge_call(hnorm, srcr, dstr)
    return _apply(stack, partials, hidden, W.T, b.reshape(1, D_FEAT))

# --- scband reference (transcript-rebuilt; emitter-appended) ---
"""Pipeline reference for scband-single-gcn-17712445129197 (READ-ONLY COPY).

The authoritative reference and input builder live on the scoring server;
editing this copy changes nothing except your own understanding.
"""

import jax, jax.numpy as jnp
import numpy as np

N_NODES = 10000
N_EDGES = 320000
D_FEAT = 128


def setup_inputs(seed: int = 0) -> dict:
    key = jax.random.key(seed)
    k1, k2, k3, k4, k5, k6 = jax.random.split(key, 6)
    hidden = jax.random.normal(k1, (N_NODES, D_FEAT), dtype=jnp.float32)
    # degree must be strictly positive (divisor); mimic realistic degrees in [1, 64]
    degree = jax.random.uniform(k2, (N_NODES, 1), dtype=jnp.float32, minval=1.0, maxval=64.0)
    stack = jax.random.normal(k3, (N_NODES, D_FEAT), dtype=jnp.float32)
    edge_index = jax.random.randint(k4, (2, N_EDGES), 0, N_NODES, dtype=jnp.int32)
    # nn.Linear(128, 128) parameters
    W = jax.random.normal(k5, (D_FEAT, D_FEAT), dtype=jnp.float32) * 0.05
    b = jax.random.normal(k6, (D_FEAT,), dtype=jnp.float32) * 0.05
    return {"hidden": hidden, "degree": degree, "stack": stack, "W": W, "b": b, "edge_index": edge_index}


def reference(hidden, degree, stack, W, b, edge_index):
    src = edge_index[0]
    dst = edge_index[1]
    # msg_gcn: msg = edge.src['hidden'] / edge.src['degree']  (gather on src)
    msg = hidden[src] / degree[src]
    # reduce_gcn: sum mailbox over incoming edges (scatter-add by dst), plus self hidden
    agg = jax.ops.segment_sum(msg, dst, num_segments=hidden.shape[0])
    red = agg + hidden
    # apply_gcn: hidden = Linear(red)
    new_hidden = red @ W.T + b
    # ndata['stack'] = cat([stack, hidden], dim=1)
    new_stack = jnp.concatenate([stack, new_hidden], axis=1)
    return new_stack

if __name__ == "__main__":
    import jax
    _d = setup_inputs()
    print(jax.jit(kernel)(*tuple(_d.values())))

</pallas_src>

<mosaic_0001>
#map = affine_map<(d0, d1) -> (0, 0)>
#map1 = affine_map<(d0, d1) -> (0, 0, 0)>
#map2 = affine_map<(d0, d1) -> (0, 0, 0, 0)>
module attributes {stable_mosaic.version = 14 : i64} {
  func.func @_edge_body(%arg0: i32, %arg1: i32, %arg2: memref<10000x128xf32, #tpu.memory_space<hbm>>, %arg3: memref<16x250x80xi32, #tpu.memory_space<hbm>>, %arg4: memref<2x16x250x80xi32, #tpu.memory_space<hbm>>, %arg5: memref<2x5120x128xf32, #tpu.memory_space<hbm>>, %arg6: memref<250x80xi32, #tpu.memory_space<vmem>>, %arg7: memref<250x80xi32, #tpu.memory_space<vmem>>, %arg8: memref<80x128xf32, #tpu.memory_space<vmem>>, %arg9: memref<80x128xf32, #tpu.memory_space<vmem>>, %arg10: memref<5120x128xf32, #tpu.memory_space<vmem_shared>>, %arg11: memref<!tpu.dma_semaphore, #tpu.memory_space<semaphore_mem>>, %arg12: memref<!tpu.dma_semaphore, #tpu.memory_space<semaphore_mem>>) attributes {dimension_semantics = [#tpu.dimension_semantics<core_parallel>, #tpu.dimension_semantics<subcore_parallel>], iteration_bounds = array<i64: 2, 16>, scalar_prefetch = 0 : i64, scratch_operands = 7 : i64, tpu.core_type = #tpu.core_type<sc_vector_subcore>, window_params = [{transform_indices = #map}, {transform_indices = #map1}, {transform_indices = #map2}, {transform_indices = #map1}]} {
    %broadcast_in_dim3A = arith.constant 0.000000e+00 : f32
    %broadcast_in_dim3A_0 = vector.broadcast %broadcast_in_dim3A : f32 to vector<16xf32>
    %scan3A = arith.constant 0 : i32
    %scan3A_1 = arith.constant 0 : i32
    %scan3A_2 = arith.constant 64 : i32
    %scan3A_3 = arith.addi %scan3A_1, %scan3A_2 : i32
    %scan3A_4 = arith.constant 1 : i32
    %scan3A_5 = scf.for %scan3A_50 = %scan3A_1 to %scan3A_3 step %scan3A_4 iter_args(%scan3A_51 = %scan3A) -> (i32)  : i32 {
      %swap3A = arith.index_cast %scan3A_50 : i32 to index
      %swap3A_52 = arith.constant 0 : index
      %swap3A_53 = tpu.vector_load %arg8[%swap3A, %swap3A_52] {strides = array<i32>} : memref<80x128xf32, #tpu.memory_space<vmem>>, vector<1x16xf32>,
      %swap3A_54 = vector.shape_cast %swap3A_53 : vector<1x16xf32> to vector<16xf32>
      %swap3A_55 = vector.shape_cast %broadcast_in_dim3A_0 : vector<16xf32> to vector<1x16xf32>
      tpu.vector_store %arg8[%swap3A, %swap3A_52], %swap3A_55 {strides = array<i32>} : memref<80x128xf32, #tpu.memory_space<vmem>>, vector<1x16xf32>,
      %swap3A_56 = arith.index_cast %scan3A_50 : i32 to index
      %swap3A_57 = arith.constant 16 : index
      %swap3A_58 = tpu.vector_load %arg8[%swap3A_56, %swap3A_57] {strides = array<i32>} : memref<80x128xf32, #tpu.memory_space<vmem>>, vector<1x16xf32>,
      %swap3A_59 = vector.shape_cast %swap3A_58 : vector<1x16xf32> to vector<16xf32>
      %swap3A_60 = vector.shape_cast %broadcast_in_dim3A_0 : vector<16xf32> to vector<1x16xf32>
      tpu.vector_store %arg8[%swap3A_56, %swap3A_57], %swap3A_60 {strides = array<i32>} : memref<80x128xf32, #tpu.memory_space<vmem>>, vector<1x16xf32>,
      %swap3A_61 = arith.index_cast %scan3A_50 : i32 to index
      %swap3A_62 = arith.constant 32 : index
      %swap3A_63 = tpu.vector_load %arg8[%swap3A_61, %swap3A_62] {strides = array<i32>} : memref<80x128xf32, #tpu.memory_space<vmem>>, vector<1x16xf32>,
      %swap3A_64 = vector.shape_cast %swap3A_63 : vector<1x16xf32> to vector<16xf32>
      %swap3A_65 = vector.shape_cast %broadcast_in_dim3A_0 : vector<16xf32> to vector<1x16xf32>
      tpu.vector_store %arg8[%swap3A_61, %swap3A_62], %swap3A_65 {strides = array<i32>} : memref<80x128xf32, #tpu.memory_space<vmem>>, vector<1x16xf32>,
      %swap3A_66 = arith.index_cast %scan3A_50 : i32 to index
      %swap3A_67 = arith.constant 48 : index
      %swap3A_68 = tpu.vector_load %arg8[%swap3A_66, %swap3A_67] {strides = array<i32>} : memref<80x128xf32, #tpu.memory_space<vmem>>, vector<1x16xf32>,
      %swap3A_69 = vector.shape_cast %swap3A_68 : vector<1x16xf32> to vector<16xf32>
      %swap3A_70 = vector.shape_cast %broadcast_in_dim3A_0 : vector<16xf32> to vector<1x16xf32>
      tpu.vector_store %arg8[%swap3A_66, %swap3A_67], %swap3A_70 {strides = array<i32>} : memref<80x128xf32, #tpu.memory_space<vmem>>, vector<1x16xf32>,
      %swap3A_71 = arith.index_cast %scan3A_50 : i32 to index
      %swap3A_72 = arith.constant 64 : index
      %swap3A_73 = tpu.vector_load %arg8[%swap3A_71, %swap3A_72] {strides = array<i32>} : memref<80x128xf32, #tpu.memory_space<vmem>>, vector<1x16xf32>,
      %swap3A_74 = vector.shape_cast %swap3A_73 : vector<1x16xf32> to vector<16xf32>
      %swap3A_75 = vector.shape_cast %broadcast_in_dim3A_0 : vector<16xf32> to vector<1x16xf32>
      tpu.vector_store %arg8[%swap3A_71, %swap3A_72], %swap3A_75 {strides = array<i32>} : memref<80x128xf32, #tpu.memory_space<vmem>>, vector<1x16xf32>,
      %swap3A_76 = arith.index_cast %scan3A_50 : i32 to index
      %swap3A_77 = arith.constant 80 : index
      %swap3A_78 = tpu.vector_load %arg8[%swap3A_76, %swap3A_77] {strides = array<i32>} : memref<80x128xf32, #tpu.memory_space<vmem>>, vector<1x16xf32>,
      %swap3A_79 = vector.shape_cast %swap3A_78 : vector<1x16xf32> to vector<16xf32>
      %swap3A_80 = vector.shape_cast %broadcast_in_dim3A_0 : vector<16xf32> to vector<1x16xf32>
      tpu.vector_store %arg8[%swap3A_76, %swap3A_77], %swap3A_80 {strides = array<i32>} : memref<80x128xf32, #tpu.memory_space<vmem>>, vector<1x16xf32>,
      %swap3A_81 = arith.index_cast %scan3A_50 : i32 to index
      %swap3A_82 = arith.constant 96 : index
      %swap3A_83 = tpu.vector_load %arg8[%swap3A_81, %swap3A_82] {strides = array<i32>} : memref<80x128xf32, #tpu.memory_space<vmem>>, vector<1x16xf32>,
      %swap3A_84 = vector.shape_cast %swap3A_83 : vector<1x16xf32> to vector<16xf32>
      %swap3A_85 = vector.shape_cast %broadcast_in_dim3A_0 : vector<16xf32> to vector<1x16xf32>
      tpu.vector_store %arg8[%swap3A_81, %swap3A_82], %swap3A_85 {strides = array<i32>} : memref<80x128xf32, #tpu.memory_space<vmem>>, vector<1x16xf32>,
      %swap3A_86 = arith.index_cast %scan3A_50 : i32 to index
      %swap3A_87 = arith.constant 112 : index
      %swap3A_88 = tpu.vector_load %arg8[%swap3A_86, %swap3A_87] {strides = array<i32>} : memref<80x128xf32, #tpu.memory_space<vmem>>, vector<1x16xf32>,
      %swap3A_89 = vector.shape_cast %swap3A_88 : vector<1x16xf32> to vector<16xf32>
      %swap3A_90 = vector.shape_cast %broadcast_in_dim3A_0 : vector<16xf32> to vector<1x16xf32>
      tpu.vector_store %arg8[%swap3A_86, %swap3A_87], %swap3A_90 {strides = array<i32>} : memref<80x128xf32, #tpu.memory_space<vmem>>, vector<1x16xf32>,
      %scan3A_91 = arith.constant 0 : i32
      scf.yield %scan3A_91 : i32
    }
    %scan3A_6 = arith.constant 64 : i32
    %mul3A = arith.constant 320 : i32
    %mul3A_7 = arith.muli %arg1, %mul3A : i32
    %add3A = arith.constant 0 : i32
    %add3A_8 = arith.addi %mul3A_7, %add3A : i32
    "tpu.region"() ({
      %run_scoped3A = tpu.sem_alloc : memref<!tpu.dma_semaphore, #tpu.memory_space<semaphore_mem>>
      %dma_start3A_50 = arith.constant 0 : i32
      %dma_start3A_51 = arith.constant 0 : i32
      %dma_start3A_52 = tpu.memref_slice %arg8[%dma_start3A_50, %dma_start3A_51] : memref<80x128xf32, #tpu.memory_space<vmem>> -> memref<64x128xf32, #tpu.memory_space<vmem>>
      %dma_start3A_53 = arith.constant 0 : i32
      %dma_start3A_54 = tpu.memref_slice %arg10[%add3A_8, %dma_start3A_53] : memref<5120x128xf32, #tpu.memory_space<vmem_shared>> -> memref<64x128xf32, #tpu.memory_space<vmem_shared>>
      %dma_start3A_55 = arith.constant 0 : i32
      %dma_start3A_56 = tpu.memref_slice %arg10[%add3A_8, %dma_start3A_55] : memref<5120x128xf32, #tpu.memory_space<vmem_shared>> -> memref<64x128xf32, #tpu.memory_space<vmem_shared>>
      %dma_start3A_57 = arith.constant 0 : i32
      %dma_start3A_58 = arith.constant 0 : i32
      %dma_start3A_59 = tpu.memref_slice %arg8[%dma_start3A_57, %dma_start3A_58] : memref<80x128xf32, #tpu.memory_space<vmem>> -> memref<64x128xf32, #tpu.memory_space<vmem>>
      tpu.enqueue_dma source(%dma_start3A_59 : memref<64x128xf32, #tpu.memory_space<vmem>>) target(%dma_start3A_56 : memref<64x128xf32, #tpu.memory_space<vmem_shared>>) target_semaphore(%run_scoped3A : memref<!tpu.dma_semaphore, #tpu.memory_space<semaphore_mem>>)
      %dma_wait3A = arith.constant 0 : i32
      %dma_wait3A_60 = arith.constant 0 : i32
      %dma_wait3A_61 = tpu.memref_slice %arg8[%dma_wait3A, %dma_wait3A_60] : memref<80x128xf32, #tpu.memory_space<vmem>> -> memref<64x128xf32, #tpu.memory_space<vmem>>
      %dma_wait3A_62 = arith.constant 0 : i32
      %dma_wait3A_63 = tpu.memref_slice %arg10[%add3A_8, %dma_wait3A_62] : memref<5120x128xf32, #tpu.memory_space<vmem_shared>> -> memref<64x128xf32, #tpu.memory_space<vmem_shared>>
      %dma_wait3A_64 = arith.constant 0 : i32
      %dma_wait3A_65 = tpu.memref_slice %arg10[%add3A_8, %dma_wait3A_64] : memref<5120x128xf32, #tpu.memory_space<vmem_shared>> -> memref<64x128xf32, #tpu.memory_space<vmem_shared>>
      %dma_wait3A_66 = arith.constant 0 : i32
      %dma_wait3A_67 = arith.constant 0 : i32
      %dma_wait3A_68 = tpu.memref_slice %arg8[%dma_wait3A_66, %dma_wait3A_67] : memref<80x128xf32, #tpu.memory_space<vmem>> -> memref<64x128xf32, #tpu.memory_space<vmem>>
      tpu.wait_dma2 semaphore(%run_scoped3A : memref<!tpu.dma_semaphore, #tpu.memory_space<semaphore_mem>>) src(%dma_wait3A_68 : memref<64x128xf32, #tpu.memory_space<vmem>>) dst(%dma_wait3A_65 : memref<64x128xf32, #tpu.memory_space<vmem_shared>>)
      tpu.yield
    }) : () -> ()
    %mul3A_9 = arith.constant 320 : i32
    %mul3A_10 = arith.muli %arg1, %mul3A_9 : i32
    %add3A_11 = arith.constant 64 : i32
    %add3A_12 = arith.addi %mul3A_10, %add3A_11 : i32
    "tpu.region"() ({
      %run_scoped3A = tpu.sem_alloc : memref<!tpu.dma_semaphore, #tpu.memory_space<semaphore_mem>>
      %dma_start3A_50 = arith.constant 0 : i32
      %dma_start3A_51 = arith.constant 0 : i32
      %dma_start3A_52 = tpu.memref_slice %arg8[%dma_start3A_50, %dma_start3A_51] : memref<80x128xf32, #tpu.memory_space<vmem>> -> memref<64x128xf32, #tpu.memory_space<vmem>>
      %dma_start3A_53 = arith.constant 0 : i32
      %dma_start3A_54 = tpu.memref_slice %arg10[%add3A_12, %dma_start3A_53] : memref<5120x128xf32, #tpu.memory_space<vmem_shared>> -> memref<64x128xf32, #tpu.memory_space<vmem_shared>>
      %dma_start3A_55 = arith.constant 0 : i32
      %dma_start3A_56 = tpu.memref_slice %arg10[%add3A_12, %dma_start3A_55] : memref<5120x128xf32, #tpu.memory_space<vmem_shared>> -> memref<64x128xf32, #tpu.memory_space<vmem_shared>>
      %dma_start3A_57 = arith.constant 0 : i32
      %dma_start3A_58 = arith.constant 0 : i32
      %dma_start3A_59 = tpu.memref_slice %arg8[%dma_start3A_57, %dma_start3A_58] : memref<80x128xf32, #tpu.memory_space<vmem>> -> memref<64x128xf32, #tpu.memory_space<vmem>>
      tpu.enqueue_dma source(%dma_start3A_59 : memref<64x128xf32, #tpu.memory_space<vmem>>) target(%dma_start3A_56 : memref<64x128xf32, #tpu.memory_space<vmem_shared>>) target_semaphore(%run_scoped3A : memref<!tpu.dma_semaphore, #tpu.memory_space<semaphore_mem>>)
      %dma_wait3A = arith.constant 0 : i32
      %dma_wait3A_60 = arith.constant 0 : i32
      %dma_wait3A_61 = tpu.memref_slice %arg8[%dma_wait3A, %dma_wait3A_60] : memref<80x128xf32, #tpu.memory_space<vmem>> -> memref<64x128xf32, #tpu.memory_space<vmem>>
      %dma_wait3A_62 = arith.constant 0 : i32
      %dma_wait3A_63 = tpu.memref_slice %arg10[%add3A_12, %dma_wait3A_62] : memref<5120x128xf32, #tpu.memory_space<vmem_shared>> -> memref<64x128xf32, #tpu.memory_space<vmem_shared>>
      %dma_wait3A_64 = arith.constant 0 : i32
      %dma_wait3A_65 = tpu.memref_slice %arg10[%add3A_12, %dma_wait3A_64] : memref<5120x128xf32, #tpu.memory_space<vmem_shared>> -> memref<64x128xf32, #tpu.memory_space<vmem_shared>>
      %dma_wait3A_66 = arith.constant 0 : i32
      %dma_wait3A_67 = arith.constant 0 : i32
      %dma_wait3A_68 = tpu.memref_slice %arg8[%dma_wait3A_66, %dma_wait3A_67] : memref<80x128xf32, #tpu.memory_space<vmem>> -> memref<64x128xf32, #tpu.memory_space<vmem>>
      tpu.wait_dma2 semaphore(%run_scoped3A : memref<!tpu.dma_semaphore, #tpu.memory_space<semaphore_mem>>) src(%dma_wait3A_68 : memref<64x128xf32, #tpu.memory_space<vmem>>) dst(%dma_wait3A_65 : memref<64x128xf32, #tpu.memory_space<vmem_shared>>)
      tpu.yield
    }) : () -> ()
    %mul3A_13 = arith.constant 320 : i32
    %mul3A_14 = arith.muli %arg1, %mul3A_13 : i32
    %add3A_15 = arith.constant 128 : i32
    %add3A_16 = arith.addi %mul3A_14, %add3A_15 : i32
    "tpu.region"() ({
      %run_scoped3A = tpu.sem_alloc : memref<!tpu.dma_semaphore, #tpu.memory_space<semaphore_mem>>
      %dma_start3A_50 = arith.constant 0 : i32
      %dma_start3A_51 = arith.constant 0 : i32
      %dma_start3A_52 = tpu.memref_slice %arg8[%dma_start3A_50, %dma_start3A_51] : memref<80x128xf32, #tpu.memory_space<vmem>> -> memref<64x128xf32, #tpu.memory_space<vmem>>
      %dma_start3A_53 = arith.constant 0 : i32
      %dma_start3A_54 = tpu.memref_slice %arg10[%add3A_16, %dma_start3A_53] : memref<5120x128xf32, #tpu.memory_space<vmem_shared>> -> memref<64x128xf32, #tpu.memory_space<vmem_shared>>
      %dma_start3A_55 = arith.constant 0 : i32
      %dma_start3A_56 = tpu.memref_slice %arg10[%add3A_16, %dma_start3A_55] : memref<5120x128xf32, #tpu.memory_space<vmem_shared>> -> memref<64x128xf32, #tpu.memory_space<vmem_shared>>
      %dma_start3A_57 = arith.constant 0 : i32
      %dma_start3A_58 = arith.constant 0 : i32
      %dma_start3A_59 = tpu.memref_slice %arg8[%dma_start3A_57, %dma_start3A_58] : memref<80x128xf32, #tpu.memory_space<vmem>> -> memref<64x128xf32, #tpu.memory_space<vmem>>
      tpu.enqueue_dma source(%dma_start3A_59 : memref<64x128xf32, #tpu.memory_space<vmem>>) target(%dma_start3A_56 : memref<64x128xf32, #tpu.memory_space<vmem_shared>>) target_semaphore(%run_scoped3A : memref<!tpu.dma_semaphore, #tpu.memory_space<semaphore_mem>>)
      %dma_wait3A = arith.constant 0 : i32
      %dma_wait3A_60 = arith.constant 0 : i32
      %dma_wait3A_61 = tpu.memref_slice %arg8[%dma_wait3A, %dma_wait3A_60] : memref<80x128xf32, #tpu.memory_space<vmem>> -> memref<64x128xf32, #tpu.memory_space<vmem>>
      %dma_wait3A_62 = arith.constant 0 : i32
      %dma_wait3A_63 = tpu.memref_slice %arg10[%add3A_16, %dma_wait3A_62] : memref<5120x128xf32, #tpu.memory_space<vmem_shared>> -> memref<64x128xf32, #tpu.memory_space<vmem_shared>>
      %dma_wait3A_64 = arith.constant 0 : i32
      %dma_wait3A_65 = tpu.memref_slice %arg10[%add3A_16, %dma_wait3A_64] : memref<5120x128xf32, #tpu.memory_space<vmem_shared>> -> memref<64x128xf32, #tpu.memory_space<vmem_shared>>
      %dma_wait3A_66 = arith.constant 0 : i32
      %dma_wait3A_67 = arith.constant 0 : i32
      %dma_wait3A_68 = tpu.memref_slice %arg8[%dma_wait3A_66, %dma_wait3A_67] : memref<80x128xf32, #tpu.memory_space<vmem>> -> memref<64x128xf32, #tpu.memory_space<vmem>>
      tpu.wait_dma2 semaphore(%run_scoped3A : memref<!tpu.dma_semaphore, #tpu.memory_space<semaphore_mem>>) src(%dma_wait3A_68 : memref<64x128xf32, #tpu.memory_space<vmem>>) dst(%dma_wait3A_65 : memref<64x128xf32, #tpu.memory_space<vmem_shared>>)
      tpu.yield
    }) : () -> ()
    %mul3A_17 = arith.constant 320 : i32
    %mul3A_18 = arith.muli %arg1, %mul3A_17 : i32
    %add3A_19 = arith.constant 192 : i32
    %add3A_20 = arith.addi %mul3A_18, %add3A_19 : i32
    "tpu.region"() ({
      %run_scoped3A = tpu.sem_alloc : memref<!tpu.dma_semaphore, #tpu.memory_space<semaphore_mem>>
      %dma_start3A_50 = arith.constant 0 : i32
      %dma_start3A_51 = arith.constant 0 : i32
      %dma_start3A_52 = tpu.memref_slice %arg8[%dma_start3A_50, %dma_start3A_51] : memref<80x128xf32, #tpu.memory_space<vmem>> -> memref<64x128xf32, #tpu.memory_space<vmem>>
      %dma_start3A_53 = arith.constant 0 : i32
      %dma_start3A_54 = tpu.memref_slice %arg10[%add3A_20, %dma_start3A_53] : memref<5120x128xf32, #tpu.memory_space<vmem_shared>> -> memref<64x128xf32, #tpu.memory_space<vmem_shared>>
      %dma_start3A_55 = arith.constant 0 : i32
      %dma_start3A_56 = tpu.memref_slice %arg10[%add3A_20, %dma_start3A_55] : memref<5120x128xf32, #tpu.memory_space<vmem_shared>> -> memref<64x128xf32, #tpu.memory_space<vmem_shared>>
      %dma_start3A_57 = arith.constant 0 : i32
      %dma_start3A_58 = arith.constant 0 : i32
      %dma_start3A_59 = tpu.memref_slice %arg8[%dma_start3A_57, %dma_start3A_58] : memref<80x128xf32, #tpu.memory_space<vmem>> -> memref<64x128xf32, #tpu.memory_space<vmem>>
      tpu.enqueue_dma source(%dma_start3A_59 : memref<64x128xf32, #tpu.memory_space<vmem>>) target(%dma_start3A_56 : memref<64x128xf32, #tpu.memory_space<vmem_shared>>) target_semaphore(%run_scoped3A : memref<!tpu.dma_semaphore, #tpu.memory_space<semaphore_mem>>)
      %dma_wait3A = arith.constant 0 : i32
      %dma_wait3A_60 = arith.constant 0 : i32
      %dma_wait3A_61 = tpu.memref_slice %arg8[%dma_wait3A, %dma_wait3A_60] : memref<80x128xf32, #tpu.memory_space<vmem>> -> memref<64x128xf32, #tpu.memory_space<vmem>>
      %dma_wait3A_62 = arith.constant 0 : i32
      %dma_wait3A_63 = tpu.memref_slice %arg10[%add3A_20, %dma_wait3A_62] : memref<5120x128xf32, #tpu.memory_space<vmem_shared>> -> memref<64x128xf32, #tpu.memory_space<vmem_shared>>
      %dma_wait3A_64 = arith.constant 0 : i32
      %dma_wait3A_65 = tpu.memref_slice %arg10[%add3A_20, %dma_wait3A_64] : memref<5120x128xf32, #tpu.memory_space<vmem_shared>> -> memref<64x128xf32, #tpu.memory_space<vmem_shared>>
      %dma_wait3A_66 = arith.constant 0 : i32
      %dma_wait3A_67 = arith.constant 0 : i32
      %dma_wait3A_68 = tpu.memref_slice %arg8[%dma_wait3A_66, %dma_wait3A_67] : memref<80x128xf32, #tpu.memory_space<vmem>> -> memref<64x128xf32, #tpu.memory_space<vmem>>
      tpu.wait_dma2 semaphore(%run_scoped3A : memref<!tpu.dma_semaphore, #tpu.memory_space<semaphore_mem>>) src(%dma_wait3A_68 : memref<64x128xf32, #tpu.memory_space<vmem>>) dst(%dma_wait3A_65 : memref<64x128xf32, #tpu.memory_space<vmem_shared>>)
      tpu.yield
    }) : () -> ()
    %mul3A_21 = arith.constant 320 : i32
    %mul3A_22 = arith.muli %arg1, %mul3A_21 : i32
    %add3A_23 = arith.constant 256 : i32
    %add3A_24 = arith.addi %mul3A_22, %add3A_23 : i32
    "tpu.region"() ({
      %run_scoped3A = tpu.sem_alloc : memref<!tpu.dma_semaphore, #tpu.memory_space<semaphore_mem>>
      %dma_start3A_50 = arith.constant 0 : i32
      %dma_start3A_51 = arith.constant 0 : i32
      %dma_start3A_52 = tpu.memref_slice %arg8[%dma_start3A_50, %dma_start3A_51] : memref<80x128xf32, #tpu.memory_space<vmem>> -> memref<64x128xf32, #tpu.memory_space<vmem>>
      %dma_start3A_53 = arith.constant 0 : i32
      %dma_start3A_54 = tpu.memref_slice %arg10[%add3A_24, %dma_start3A_53] : memref<5120x128xf32, #tpu.memory_space<vmem_shared>> -> memref<64x128xf32, #tpu.memory_space<vmem_shared>>
      %dma_start3A_55 = arith.constant 0 : i32
      %dma_start3A_56 = tpu.memref_slice %arg10[%add3A_24, %dma_start3A_55] : memref<5120x128xf32, #tpu.memory_space<vmem_shared>> -> memref<64x128xf32, #tpu.memory_space<vmem_shared>>
      %dma_start3A_57 = arith.constant 0 : i32
      %dma_start3A_58 = arith.constant 0 : i32
      %dma_start3A_59 = tpu.memref_slice %arg8[%dma_start3A_57, %dma_start3A_58] : memref<80x128xf32, #tpu.memory_space<vmem>> -> memref<64x128xf32, #tpu.memory_space<vmem>>
      tpu.enqueue_dma source(%dma_start3A_59 : memref<64x128xf32, #tpu.memory_space<vmem>>) target(%dma_start3A_56 : memref<64x128xf32, #tpu.memory_space<vmem_shared>>) target_semaphore(%run_scoped3A : memref<!tpu.dma_semaphore, #tpu.memory_space<semaphore_mem>>)
      %dma_wait3A = arith.constant 0 : i32
      %dma_wait3A_60 = arith.constant 0 : i32
      %dma_wait3A_61 = tpu.memref_slice %arg8[%dma_wait3A, %dma_wait3A_60] : memref<80x128xf32, #tpu.memory_space<vmem>> -> memref<64x128xf32, #tpu.memory_space<vmem>>
      %dma_wait3A_62 = arith.constant 0 : i32
      %dma_wait3A_63 = tpu.memref_slice %arg10[%add3A_24, %dma_wait3A_62] : memref<5120x128xf32, #tpu.memory_space<vmem_shared>> -> memref<64x128xf32, #tpu.memory_space<vmem_shared>>
      %dma_wait3A_64 = arith.constant 0 : i32
      %dma_wait3A_65 = tpu.memref_slice %arg10[%add3A_24, %dma_wait3A_64] : memref<5120x128xf32, #tpu.memory_space<vmem_shared>> -> memref<64x128xf32, #tpu.memory_space<vmem_shared>>
      %dma_wait3A_66 = arith.constant 0 : i32
      %dma_wait3A_67 = arith.constant 0 : i32
      %dma_wait3A_68 = tpu.memref_slice %arg8[%dma_wait3A_66, %dma_wait3A_67] : memref<80x128xf32, #tpu.memory_space<vmem>> -> memref<64x128xf32, #tpu.memory_space<vmem>>
      tpu.wait_dma2 semaphore(%run_scoped3A : memref<!tpu.dma_semaphore, #tpu.memory_space<semaphore_mem>>) src(%dma_wait3A_68 : memref<64x128xf32, #tpu.memory_space<vmem>>) dst(%dma_wait3A_65 : memref<64x128xf32, #tpu.memory_space<vmem_shared>>)
      tpu.yield
    }) : () -> ()
    "tpu.region"() ({
      %run_scoped3A = tpu.sem_alloc : memref<!tpu.dma_semaphore, #tpu.memory_space<semaphore_mem>>
      %dma_start3A_50 = arith.constant 0 : i32
      %dma_start3A_51 = arith.constant 0 : i32
      %dma_start3A_52 = tpu.memref_slice %arg3[%arg1, %dma_start3A_50, %dma_start3A_51] : memref<16x250x80xi32, #tpu.memory_space<hbm>> -> memref<1x250x80xi32, #tpu.memory_space<hbm>>
      %dma_start3A_53 = tpu.memref_squeeze %dma_start3A_52 : memref<1x250x80xi32, #tpu.memory_space<hbm>> -> memref<250x80xi32, #tpu.memory_space<hbm>>
      %dma_start3A_54 = arith.constant 0 : i32
      %dma_start3A_55 = arith.constant 0 : i32
      %dma_start3A_56 = tpu.memref_slice %arg3[%arg1, %dma_start3A_54, %dma_start3A_55] : memref<16x250x80xi32, #tpu.memory_space<hbm>> -> memref<1x250x80xi32, #tpu.memory_space<hbm>>
      %dma_start3A_57 = tpu.memref_squeeze %dma_start3A_56 : memref<1x250x80xi32, #tpu.memory_space<hbm>> -> memref<250x80xi32, #tpu.memory_space<hbm>>
      tpu.enqueue_dma source(%dma_start3A_57 : memref<250x80xi32, #tpu.memory_space<hbm>>) target(%arg6 : memref<250x80xi32, #tpu.memory_space<vmem>>) target_semaphore(%run_scoped3A : memref<!tpu.dma_semaphore, #tpu.memory_space<semaphore_mem>>)
      %dma_wait3A = arith.constant 0 : i32
      %dma_wait3A_58 = arith.constant 0 : i32
      %dma_wait3A_59 = tpu.memref_slice %arg3[%arg1, %dma_wait3A, %dma_wait3A_58] : memref<16x250x80xi32, #tpu.memory_space<hbm>> -> memref<1x250x80xi32, #tpu.memory_space<hbm>>
      %dma_wait3A_60 = tpu.memref_squeeze %dma_wait3A_59 : memref<1x250x80xi32, #tpu.memory_space<hbm>> -> memref<250x80xi32, #tpu.memory_space<hbm>>
      %dma_wait3A_61 = arith.constant 0 : i32
      %dma_wait3A_62 = arith.constant 0 : i32
      %dma_wait3A_63 = tpu.memref_slice %arg3[%arg1, %dma_wait3A_61, %dma_wait3A_62] : memref<16x250x80xi32, #tpu.memory_space<hbm>> -> memref<1x250x80xi32, #tpu.memory_space<hbm>>
      %dma_wait3A_64 = tpu.memref_squeeze %dma_wait3A_63 : memref<1x250x80xi32, #tpu.memory_space<hbm>> -> memref<250x80xi32, #tpu.memory_space<hbm>>
      tpu.wait_dma2 semaphore(%run_scoped3A : memref<!tpu.dma_semaphore, #tpu.memory_space<semaphore_mem>>) src(%dma_wait3A_64 : memref<250x80xi32, #tpu.memory_space<hbm>>) dst(%arg6 : memref<250x80xi32, #tpu.memory_space<vmem>>)
      tpu.yield
    }) : () -> ()
    "tpu.region"() ({
      %run_scoped3A = tpu.sem_alloc : memref<!tpu.dma_semaphore, #tpu.memory_space<semaphore_mem>>
      %dma_start3A_50 = arith.constant 0 : i32
      %dma_start3A_51 = arith.constant 0 : i32
      %dma_start3A_52 = tpu.memref_slice %arg4[%arg0, %arg1, %dma_start3A_50, %dma_start3A_51] : memref<2x16x250x80xi32, #tpu.memory_space<hbm>> -> memref<1x1x250x80xi32, #tpu.memory_space<hbm>>
      %dma_start3A_53 = tpu.memref_squeeze %dma_start3A_52 : memref<1x1x250x80xi32, #tpu.memory_space<hbm>> -> memref<250x80xi32, #tpu.memory_space<hbm>>
      %dma_start3A_54 = arith.constant 0 : i32
      %dma_start3A_55 = arith.constant 0 : i32
      %dma_start3A_56 = tpu.memref_slice %arg4[%arg0, %arg1, %dma_start3A_54, %dma_start3A_55] : memref<2x16x250x80xi32, #tpu.memory_space<hbm>> -> memref<1x1x250x80xi32, #tpu.memory_space<hbm>>
      %dma_start3A_57 = tpu.memref_squeeze %dma_start3A_56 : memref<1x1x250x80xi32, #tpu.memory_space<hbm>> -> memref<250x80xi32, #tpu.memory_space<hbm>>
      tpu.enqueue_dma source(%dma_start3A_57 : memref<250x80xi32, #tpu.memory_space<hbm>>) target(%arg7 : memref<250x80xi32, #tpu.memory_space<vmem>>) target_semaphore(%run_scoped3A : memref<!tpu.dma_semaphore, #tpu.memory_space<semaphore_mem>>)
      %dma_wait3A = arith.constant 0 : i32
      %dma_wait3A_58 = arith.constant 0 : i32
      %dma_wait3A_59 = tpu.memref_slice %arg4[%arg0, %arg1, %dma_wait3A, %dma_wait3A_58] : memref<2x16x250x80xi32, #tpu.memory_space<hbm>> -> memref<1x1x250x80xi32, #tpu.memory_space<hbm>>
      %dma_wait3A_60 = tpu.memref_squeeze %dma_wait3A_59 : memref<1x1x250x80xi32, #tpu.memory_space<hbm>> -> memref<250x80xi32, #tpu.memory_space<hbm>>
      %dma_wait3A_61 = arith.constant 0 : i32
      %dma_wait3A_62 = arith.constant 0 : i32
      %dma_wait3A_63 = tpu.memref_slice %arg4[%arg0, %arg1, %dma_wait3A_61, %dma_wait3A_62] : memref<2x16x250x80xi32, #tpu.memory_space<hbm>> -> memref<1x1x250x80xi32, #tpu.memory_space<hbm>>
      %dma_wait3A_64 = tpu.memref_squeeze %dma_wait3A_63 : memref<1x1x250x80xi32, #tpu.memory_space<hbm>> -> memref<250x80xi32, #tpu.memory_space<hbm>>
      tpu.wait_dma2 semaphore(%run_scoped3A : memref<!tpu.dma_semaphore, #tpu.memory_space<semaphore_mem>>) src(%dma_wait3A_64 : memref<250x80xi32, #tpu.memory_space<hbm>>) dst(%arg7 : memref<250x80xi32, #tpu.memory_space<vmem>>)
      tpu.yield
    }) : () -> ()
    %barrier3A = arith.constant 0 : index
    tpu.barrier barrier_id(%barrier3A)
    %dma_start3A = arith.constant 0 : i32
    %dma_start3A_25 = arith.constant 0 : i32
    %dma_start3A_26 = tpu.memref_slice %arg6[%dma_start3A, %dma_start3A_25] : memref<250x80xi32, #tpu.memory_space<vmem>> -> memref<1x80xi32, #tpu.memory_space<vmem>>
    %dma_start3A_27 = tpu.memref_squeeze %dma_start3A_26 : memref<1x80xi32, #tpu.memory_space<vmem>> -> memref<80xi32, #tpu.memory_space<vmem>>
    %dma_start3A_28 = arith.constant 0 : i32
    %dma_start3A_29 = arith.constant 0 : i32
    %dma_start3A_30 = tpu.memref_slice %arg2[%dma_start3A_28, %dma_start3A_29] : memref<10000x128xf32, #tpu.memory_space<hbm>> -> memref<10000x128xf32, #tpu.memory_space<hbm>>
    tpu.enqueue_indirect_dma source(%dma_start3A_30 : memref<10000x128xf32, #tpu.memory_space<hbm>>) target(%arg8 : memref<80x128xf32, #tpu.memory_space<vmem>>) offsets(%dma_start3A_27 : memref<80xi32, #tpu.memory_space<vmem>>) semaphore(%arg11 : memref<!tpu.dma_semaphore, #tpu.memory_space<semaphore_mem>>)
    %dma_start3A_31 = arith.constant 1 : i32
    %dma_start3A_32 = arith.constant 0 : i32
    %dma_start3A_33 = tpu.memref_slice %arg6[%dma_start3A_31, %dma_start3A_32] : memref<250x80xi32, #tpu.memory_space<vmem>> -> memref<1x80xi32, #tpu.memory_space<vmem>>
    %dma_start3A_34 = tpu.memref_squeeze %dma_start3A_33 : memref<1x80xi32, #tpu.memory_space<vmem>> -> memref<80xi32, #tpu.memory_space<vmem>>
    %dma_start3A_35 = arith.constant 0 : i32
    %dma_start3A_36 = arith.constant 0 : i32
    %dma_start3A_37 = tpu.memref_slice %arg2[%dma_start3A_35, %dma_start3A_36] : memref<10000x128xf32, #tpu.memory_space<hbm>> -> memref<10000x128xf32, #tpu.memory_space<hbm>>
    tpu.enqueue_indirect_dma source(%dma_start3A_37 : memref<10000x128xf32, #tpu.memory_space<hbm>>) target(%arg9 : memref<80x128xf32, #tpu.memory_space<vmem>>) offsets(%dma_start3A_34 : memref<80xi32, #tpu.memory_space<vmem>>) semaphore(%arg12 : memref<!tpu.dma_semaphore, #tpu.memory_space<semaphore_mem>>)
    %scan3A_38 = arith.constant 0 : i32
    %scan3A_39 = arith.constant 0 : i32
    %scan3A_40 = arith.constant 125 : i32
    %scan3A_41 = arith.addi %scan3A_39, %scan3A_40 : i32
    %scan3A_42 = arith.constant 1 : i32
    %scan3A_43 = scf.for %scan3A_50 = %scan3A_39 to %scan3A_41 step %scan3A_42 iter_args(%scan3A_51 = %scan3A_38) -> (i32)  : i32 {
      %mul3A_52 = arith.constant 2 : i32
      %mul3A_53 = arith.muli %mul3A_52, %scan3A_50 : i32
      %add3A_54 = arith.constant 0 : i32
      %add3A_55 = arith.addi %mul3A_53, %add3A_54 : i32
      %dma_wait3A = arith.constant 0 : i32
      %dma_wait3A_56 = tpu.memref_slice %arg6[%add3A_55, %dma_wait3A] : memref<250x80xi32, #tpu.memory_space<vmem>> -> memref<1x80xi32, #tpu.memory_space<vmem>>
      %dma_wait3A_57 = tpu.memref_squeeze %dma_wait3A_56 : memref<1x80xi32, #tpu.memory_space<vmem>> -> memref<80xi32, #tpu.memory_space<vmem>>
      %dma_wait3A_58 = arith.constant 0 : i32
      %dma_wait3A_59 = arith.constant 0 : i32
      %dma_wait3A_60 = tpu.memref_slice %arg2[%dma_wait3A_58, %dma_wait3A_59] : memref<10000x128xf32, #tpu.memory_space<hbm>> -> memref<10000x128xf32, #tpu.memory_space<hbm>>
      tpu.wait_indirect_dma semaphore(%arg11 : memref<!tpu.dma_semaphore, #tpu.memory_space<semaphore_mem>>) src(%dma_wait3A_60 : memref<10000x128xf32, #tpu.memory_space<hbm>>) dst(%arg8 : memref<80x128xf32, #tpu.memory_space<vmem>>)
      "tpu.region"() ({
        %run_scoped3A = tpu.sem_alloc : memref<!tpu.dma_semaphore, #tpu.memory_space<semaphore_mem>>
        %dma_start3A_83 = arith.constant 0 : i32
        %dma_start3A_84 = tpu.memref_slice %arg7[%add3A_55, %dma_start3A_83] : memref<250x80xi32, #tpu.memory_space<vmem>> -> memref<1x80xi32, #tpu.memory_space<vmem>>
        %dma_start3A_85 = tpu.memref_squeeze %dma_start3A_84 : memref<1x80xi32, #tpu.memory_space<vmem>> -> memref<80xi32, #tpu.memory_space<vmem>>
        %dma_start3A_86 = arith.constant 0 : i32
        %dma_start3A_87 = arith.constant 0 : i32
        %dma_start3A_88 = tpu.memref_slice %arg10[%dma_start3A_86, %dma_start3A_87] : memref<5120x128xf32, #tpu.memory_space<vmem_shared>> -> memref<5120x128xf32, #tpu.memory_space<vmem_shared>>
        tpu.enqueue_indirect_dma source(%arg8 : memref<80x128xf32, #tpu.memory_space<vmem>>) target(%dma_start3A_88 : memref<5120x128xf32, #tpu.memory_space<vmem_shared>>) offsets(%dma_start3A_85 : memref<80xi32, #tpu.memory_space<vmem>>) semaphore(%run_scoped3A : memref<!tpu.dma_semaphore, #tpu.memory_space<semaphore_mem>>) {add = true}
        %dma_wait3A_89 = arith.constant 0 : i32
        %dma_wait3A_90 = tpu.memref_slice %arg7[%add3A_55, %dma_wait3A_89] : memref<250x80xi32, #tpu.memory_space<vmem>> -> memref<1x80xi32, #tpu.memory_space<vmem>>
        %dma_wait3A_91 = tpu.memref_squeeze %dma_wait3A_90 : memref<1x80xi32, #tpu.memory_space<vmem>> -> memref<80xi32, #tpu.memory_space<vmem>>
        %dma_wait3A_92 = arith.constant 0 : i32
        %dma_wait3A_93 = arith.constant 0 : i32
        %dma_wait3A_94 = tpu.memref_slice %arg10[%dma_wait3A_92, %dma_wait3A_93] : memref<5120x128xf32, #tpu.memory_space<vmem_shared>> -> memref<5120x128xf32, #tpu.memory_space<vmem_shared>>
        tpu.wait_indirect_dma semaphore(%run_scoped3A : memref<!tpu.dma_semaphore, #tpu.memory_space<semaphore_mem>>) src(%arg8 : memref<80x128xf32, #tpu.memory_space<vmem>>) dst(%dma_wait3A_94 : memref<5120x128xf32, #tpu.memory_space<vmem_shared>>)
        tpu.yield
      }) : () -> ()
      %add3A_61 = arith.constant 2 : i32
      %add3A_62 = arith.addi %add3A_55, %add3A_61 : i32
      %lt3A = arith.constant 250 : i32
      %lt3A_63 = arith.cmpi slt, %add3A_62, %lt3A : i32
      %convert_element_type3A = arith.extui %lt3A_63 : i1 to i32
      %cond3A = arith.constant 0 : i32
      %cond3A_64 = arith.cmpi ne, %convert_element_type3A, %cond3A : i32
      scf.if %cond3A_64 {
        %add3A_83 = arith.constant 2 : i32
        %add3A_84 = arith.addi %add3A_55, %add3A_83 : i32
        %dma_start3A_85 = arith.constant 0 : i32
        %dma_start3A_86 = tpu.memref_slice %arg6[%add3A_84, %dma_start3A_85] : memref<250x80xi32, #tpu.memory_space<vmem>> -> memref<1x80xi32, #tpu.memory_space<vmem>>
        %dma_start3A_87 = tpu.memref_squeeze %dma_start3A_86 : memref<1x80xi32, #tpu.memory_space<vmem>> -> memref<80xi32, #tpu.memory_space<vmem>>
        %dma_start3A_88 = arith.constant 0 : i32
        %dma_start3A_89 = arith.constant 0 : i32
        %dma_start3A_90 = tpu.memref_slice %arg2[%dma_start3A_88, %dma_start3A_89] : memref<10000x128xf32, #tpu.memory_space<hbm>> -> memref<10000x128xf32, #tpu.memory_space<hbm>>
        tpu.enqueue_indirect_dma source(%dma_start3A_90 : memref<10000x128xf32, #tpu.memory_space<hbm>>) target(%arg8 : memref<80x128xf32, #tpu.memory_space<vmem>>) offsets(%dma_start3A_87 : memref<80xi32, #tpu.memory_space<vmem>>) semaphore(%arg11 : memref<!tpu.dma_semaphore, #tpu.memory_space<semaphore_mem>>)
      } else {
      }
      %mul3A_65 = arith.constant 2 : i32
      %mul3A_66 = arith.muli %mul3A_65, %scan3A_50 : i32
      %add3A_67 = arith.constant 1 : i32
      %add3A_68 = arith.addi %mul3A_66, %add3A_67 : i32
      %dma_wait3A_69 = arith.constant 0 : i32
      %dma_wait3A_70 = tpu.memref_slice %arg6[%add3A_68, %dma_wait3A_69] : memref<250x80xi32, #tpu.memory_space<vmem>> -> memref<1x80xi32, #tpu.memory_space<vmem>>
      %dma_wait3A_71 = tpu.memref_squeeze %dma_wait3A_70 : memref<1x80xi32, #tpu.memory_space<vmem>> -> memref<80xi32, #tpu.memory_space<vmem>>
      %dma_wait3A_72 = arith.constant 0 : i32
      %dma_wait3A_73 = arith.constant 0 : i32
      %dma_wait3A_74 = tpu.memref_slice %arg2[%dma_wait3A_72, %dma_wait3A_73] : memref<10000x128xf32, #tpu.memory_space<hbm>> -> memref<10000x128xf32, #tpu.memory_space<hbm>>
      tpu.wait_indirect_dma semaphore(%arg12 : memref<!tpu.dma_semaphore, #tpu.memory_space<semaphore_mem>>) src(%dma_wait3A_74 : memref<10000x128xf32, #tpu.memory_space<hbm>>) dst(%arg9 : memref<80x128xf32, #tpu.memory_space<vmem>>)
      "tpu.region"() ({
        %run_scoped3A = tpu.sem_alloc : memref<!tpu.dma_semaphore, #tpu.memory_space<semaphore_mem>>
        %dma_start3A_83 = arith.constant 0 : i32
        %dma_start3A_84 = tpu.memref_slice %arg7[%add3A_68, %dma_start3A_83] : memref<250x80xi32, #tpu.memory_space<vmem>> -> memref<1x80xi32, #tpu.memory_space<vmem>>
        %dma_start3A_85 = tpu.memref_squeeze %dma_start3A_84 : memref<1x80xi32, #tpu.memory_space<vmem>> -> memref<80xi32, #tpu.memory_space<vmem>>
        %dma_start3A_86 = arith.constant 0 : i32
        %dma_start3A_87 = arith.constant 0 : i32
        %dma_start3A_88 = tpu.memref_slice %arg10[%dma_start3A_86, %dma_start3A_87] : memref<5120x128xf32, #tpu.memory_space<vmem_shared>> -> memref<5120x128xf32, #tpu.memory_space<vmem_shared>>
        tpu.enqueue_indirect_dma source(%arg9 : memref<80x128xf32, #tpu.memory_space<vmem>>) target(%dma_start3A_88 : memref<5120x128xf32, #tpu.memory_space<vmem_shared>>) offsets(%dma_start3A_85 : memref<80xi32, #tpu.memory_space<vmem>>) semaphore(%run_scoped3A : memref<!tpu.dma_semaphore, #tpu.memory_space<semaphore_mem>>) {add = true}
        %dma_wait3A_89 = arith.constant 0 : i32
        %dma_wait3A_90 = tpu.memref_slice %arg7[%add3A_68, %dma_wait3A_89] : memref<250x80xi32, #tpu.memory_space<vmem>> -> memref<1x80xi32, #tpu.memory_space<vmem>>
        %dma_wait3A_91 = tpu.memref_squeeze %dma_wait3A_90 : memref<1x80xi32, #tpu.memory_space<vmem>> -> memref<80xi32, #tpu.memory_space<vmem>>
        %dma_wait3A_92 = arith.constant 0 : i32
        %dma_wait3A_93 = arith.constant 0 : i32
        %dma_wait3A_94 = tpu.memref_slice %arg10[%dma_wait3A_92, %dma_wait3A_93] : memref<5120x128xf32, #tpu.memory_space<vmem_shared>> -> memref<5120x128xf32, #tpu.memory_space<vmem_shared>>
        tpu.wait_indirect_dma semaphore(%run_scoped3A : memref<!tpu.dma_semaphore, #tpu.memory_space<semaphore_mem>>) src(%arg9 : memref<80x128xf32, #tpu.memory_space<vmem>>) dst(%dma_wait3A_94 : memref<5120x128xf32, #tpu.memory_space<vmem_shared>>)
        tpu.yield
      }) : () -> ()
      %add3A_75 = arith.constant 2 : i32
      %add3A_76 = arith.addi %add3A_68, %add3A_75 : i32
      %lt3A_77 = arith.constant 250 : i32
      %lt3A_78 = arith.cmpi slt, %add3A_76, %lt3A_77 : i32
      %convert_element_type3A_79 = arith.extui %lt3A_78 : i1 to i32
      %cond3A_80 = arith.constant 0 : i32
      %cond3A_81 = arith.cmpi ne, %convert_element_type3A_79, %cond3A_80 : i32
      scf.if %cond3A_81 {
        %add3A_83 = arith.constant 2 : i32
        %add3A_84 = arith.addi %add3A_68, %add3A_83 : i32
        %dma_start3A_85 = arith.constant 0 : i32
        %dma_start3A_86 = tpu.memref_slice %arg6[%add3A_84, %dma_start3A_85] : memref<250x80xi32, #tpu.memory_space<vmem>> -> memref<1x80xi32, #tpu.memory_space<vmem>>
        %dma_start3A_87 = tpu.memref_squeeze %dma_start3A_86 : memref<1x80xi32, #tpu.memory_space<vmem>> -> memref<80xi32, #tpu.memory_space<vmem>>
        %dma_start3A_88 = arith.constant 0 : i32
        %dma_start3A_89 = arith.constant 0 : i32
        %dma_start3A_90 = tpu.memref_slice %arg2[%dma_start3A_88, %dma_start3A_89] : memref<10000x128xf32, #tpu.memory_space<hbm>> -> memref<10000x128xf32, #tpu.memory_space<hbm>>
        tpu.enqueue_indirect_dma source(%dma_start3A_90 : memref<10000x128xf32, #tpu.memory_space<hbm>>) target(%arg9 : memref<80x128xf32, #tpu.memory_space<vmem>>) offsets(%dma_start3A_87 : memref<80xi32, #tpu.memory_space<vmem>>) semaphore(%arg12 : memref<!tpu.dma_semaphore, #tpu.memory_space<semaphore_mem>>)
      } else {
      }
      %scan3A_82 = arith.constant 0 : i32
      scf.yield %scan3A_82 : i32
    }
    %scan3A_44 = arith.constant 125 : i32
    %barrier3A_45 = arith.constant 0 : index
    tpu.barrier barrier_id(%barrier3A_45)
    %mul3A_46 = arith.constant 320 : i32
    %mul3A_47 = arith.muli %arg1, %mul3A_46 : i32
    %mul3A_48 = arith.constant 320 : i32
    %mul3A_49 = arith.muli %arg1, %mul3A_48 : i32
    "tpu.region"() ({
      %run_scoped3A = tpu.sem_alloc : memref<!tpu.dma_semaphore, #tpu.memory_space<semaphore_mem>>
      %dma_start3A_50 = arith.constant 0 : i32
      %dma_start3A_51 = tpu.memref_slice %arg5[%arg0, %mul3A_49, %dma_start3A_50] : memref<2x5120x128xf32, #tpu.memory_space<hbm>> -> memref<1x320x128xf32, #tpu.memory_space<hbm>>
      %dma_start3A_52 = tpu.memref_squeeze %dma_start3A_51 : memref<1x320x128xf32, #tpu.memory_space<hbm>> -> memref<320x128xf32, #tpu.memory_space<hbm>>
      %dma_start3A_53 = arith.constant 0 : i32
      %dma_start3A_54 = tpu.memref_slice %arg10[%mul3A_47, %dma_start3A_53] : memref<5120x128xf32, #tpu.memory_space<vmem_shared>> -> memref<320x128xf32, #tpu.memory_space<vmem_shared>>
      tpu.enqueue_dma source(%dma_start3A_54 : memref<320x128xf32, #tpu.memory_space<vmem_shared>>) target(%dma_start3A_52 : memref<320x128xf32, #tpu.memory_space<hbm>>) target_semaphore(%run_scoped3A : memref<!tpu.dma_semaphore, #tpu.memory_space<semaphore_mem>>)
      %dma_wait3A = arith.constant 0 : i32
      %dma_wait3A_55 = tpu.memref_slice %arg5[%arg0, %mul3A_49, %dma_wait3A] : memref<2x5120x128xf32, #tpu.memory_space<hbm>> -> memref<1x320x128xf32, #tpu.memory_space<hbm>>
      %dma_wait3A_56 = tpu.memref_squeeze %dma_wait3A_55 : memref<1x320x128xf32, #tpu.memory_space<hbm>> -> memref<320x128xf32, #tpu.memory_space<hbm>>
      %dma_wait3A_57 = arith.constant 0 : i32
      %dma_wait3A_58 = tpu.memref_slice %arg10[%mul3A_47, %dma_wait3A_57] : memref<5120x128xf32, #tpu.memory_space<vmem_shared>> -> memref<320x128xf32, #tpu.memory_space<vmem_shared>>
      tpu.wait_dma2 semaphore(%run_scoped3A : memref<!tpu.dma_semaphore, #tpu.memory_space<semaphore_mem>>) src(%dma_wait3A_58 : memref<320x128xf32, #tpu.memory_space<vmem_shared>>) dst(%dma_wait3A_56 : memref<320x128xf32, #tpu.memory_space<hbm>>)
      tpu.yield
    }) : () -> ()
    return
  }
}

module attributes {stable_mosaic.version = 14 : i64} {
  func.func @_hnorm_body(%arg0: i32, %arg1: memref<2000x128xf32, #tpu.memory_space<vmem>>, %arg2: memref<2000x1xf32, #tpu.memory_space<vmem>>, %arg3: memref<2000x128xf32, #tpu.memory_space<vmem>>) attributes {dimension_semantics = [#tpu.dimension_semantics<arbitrary>], iteration_bounds = array<i64: 5>, scalar_prefetch = 0 : i64, scratch_operands = 0 : i64, tpu.core_type = #tpu.core_type<tc>, window_params = [{transform_indices = @transform_0, window_bounds = array<i64: 2000, 128>}, {transform_indices = @transform_1, window_bounds = array<i64: 2000, 1>}, {transform_indices = @transform_2, window_bounds = array<i64: 2000, 128>}]} {
    %get3A = arith.constant 0 : index
    %get3A_0 = arith.constant 0 : index
    %get3A_1 = vector.load %arg1[%get3A, %get3A_0] : memref<2000x128xf32, #tpu.memory_space<vmem>>, vector<2000x128xf32>
    %get3A_2 = arith.constant 0 : index
    %get3A_3 = arith.constant 0 : index
    %get3A_4 = vector.load %arg2[%get3A_2, %get3A_3] : memref<2000x1xf32, #tpu.memory_space<vmem>>, vector<2000x1xf32>
    %div3A = vector.broadcast %get3A_4 : vector<2000x1xf32> to vector<2000x128xf32>
    %div3A_5 = arith.divf %get3A_1, %div3A : vector<2000x128xf32>
    %swap3A = arith.constant 0 : index
    %swap3A_6 = arith.constant 0 : index
    %swap3A_7 = vector.load %arg3[%swap3A, %swap3A_6] : memref<2000x128xf32, #tpu.memory_space<vmem>>, vector<2000x128xf32>
    tpu.vector_store %arg3[%swap3A, %swap3A_6], %div3A_5 {strides = array<i32>} : memref<2000x128xf32, #tpu.memory_space<vmem>>, vector<2000x128xf32>,
    return
  }
  func.func @transform_0(%arg0: i32) -> (i32, i32) {
    %c0_i32 = arith.constant 0 : i32
    %c0_i32_0 = arith.constant 0 : i32
    return %arg0, %c0_i32 : i32, i32
  }
  func.func @transform_1(%arg0: i32) -> (i32, i32) {
    %c0_i32 = arith.constant 0 : i32
    %c0_i32_0 = arith.constant 0 : i32
    return %arg0, %c0_i32 : i32, i32
  }
  func.func @transform_2(%arg0: i32) -> (i32, i32) {
    %c0_i32 = arith.constant 0 : i32
    %c0_i32_0 = arith.constant 0 : i32
    return %arg0, %c0_i32 : i32, i32
  }
}

module attributes {stable_mosaic.version = 14 : i64} {
  func.func @_apply_body(%arg0: i32, %arg1: memref<1000x128xf32, #tpu.memory_space<vmem>>, %arg2: memref<1x1000x128xf32, #tpu.memory_space<vmem>>, %arg3: memref<1000x128xf32, #tpu.memory_space<vmem>>, %arg4: memref<128x128xf32, #tpu.memory_space<vmem>>, %arg5: memref<1x128xf32, #tpu.memory_space<vmem>>, %arg6: memref<1000x256xf32, #tpu.memory_space<vmem>>) attributes {dimension_semantics = [#tpu.dimension_semantics<arbitrary>], iteration_bounds = array<i64: 10>, scalar_prefetch = 0 : i64, scratch_operands = 0 : i64, tpu.core_type = #tpu.core_type<tc>, window_params = [{transform_indices = @transform_0, window_bounds = array<i64: 1000, 128>}, {transform_indices = @transform_1, window_bounds = array<i64: 1, 1000, 128>}, {transform_indices = @transform_2, window_bounds = array<i64: 1000, 128>}, {pipeline_mode = #tpu.pipeline_mode<synchronous>, transform_indices = @transform_3, window_bounds = array<i64: 128, 128>}, {pipeline_mode = #tpu.pipeline_mode<synchronous>, transform_indices = @transform_4, window_bounds = array<i64: 1, 128>}, {transform_indices = @transform_5, window_bounds = array<i64: 1000, 256>}]} {
    %get3A = arith.constant 0 : index
    %get3A_0 = arith.constant 0 : index
    %get3A_1 = arith.constant 0 : index
    %get3A_2 = vector.load %arg2[%get3A, %get3A_0, %get3A_1] : memref<1x1000x128xf32, #tpu.memory_space<vmem>>, vector<1x1000x128xf32>
    %get3A_3 = vector.shape_cast %get3A_2 : vector<1x1000x128xf32> to vector<1000x128xf32>
    %get3A_4 = arith.constant 0 : index
    %get3A_5 = arith.constant 0 : index
    %get3A_6 = vector.load %arg3[%get3A_4, %get3A_5] : memref<1000x128xf32, #tpu.memory_space<vmem>>, vector<1000x128xf32>
    %add3A = arith.addf %get3A_3, %get3A_6 : vector<1000x128xf32>
    %get3A_7 = arith.constant 0 : index
    %get3A_8 = arith.constant 0 : index
    %get3A_9 = vector.load %arg1[%get3A_7, %get3A_8] : memref<1000x128xf32, #tpu.memory_space<vmem>>, vector<1000x128xf32>
    %swap3A = arith.constant 0 : index
    %swap3A_10 = arith.constant 0 : index
    %swap3A_11 = vector.load %arg6[%swap3A, %swap3A_10] : memref<1000x256xf32, #tpu.memory_space<vmem>>, vector<1000x128xf32>
    tpu.vector_store %arg6[%swap3A, %swap3A_10], %get3A_9 {strides = array<i32>} : memref<1000x256xf32, #tpu.memory_space<vmem>>, vector<1000x128xf32>,
    %get3A_12 = arith.constant 0 : index
    %get3A_13 = arith.constant 0 : index
    %get3A_14 = vector.load %arg4[%get3A_12, %get3A_13] : memref<128x128xf32, #tpu.memory_space<vmem>>, vector<128x128xf32>
    %dot_general3A = arith.constant dense<0.000000e+00> : vector<1000x128xf32>
    %dot_general3A_15 = tpu.matmul %add3A, %get3A_14, %dot_general3A {dimension_numbers = #tpu.dot_dimension_numbers<[1], [0], [0], [1], [0, 0, 1, 1], [], []>, transpose_lhs_hint = false} : vector<1000x128xf32>, vector<128x128xf32>, vector<1000x128xf32> -> vector<1000x128xf32>
    %get3A_16 = arith.constant 0 : index
    %get3A_17 = arith.constant 0 : index
    %get3A_18 = vector.load %arg5[%get3A_16, %get3A_17] : memref<1x128xf32, #tpu.memory_space<vmem>>, vector<1x128xf32>
    %add3A_19 = vector.broadcast %get3A_18 : vector<1x128xf32> to vector<1000x128xf32>
    %add3A_20 = arith.addf %dot_general3A_15, %add3A_19 : vector<1000x128xf32>
    %swap3A_21 = arith.constant 0 : index
    %swap3A_22 = arith.constant 128 : index
    %swap3A_23 = vector.load %arg6[%swap3A_21, %swap3A_22] : memref<1000x256xf32, #tpu.memory_space<vmem>>, vector<1000x128xf32>
    tpu.vector_store %arg6[%swap3A_21, %swap3A_22], %add3A_20 {strides = array<i32>} : memref<1000x256xf32, #tpu.memory_space<vmem>>, vector<1000x128xf32>,
    return
  }
  func.func @transform_0(%arg0: i32) -> (i32, i32) {
    %c0_i32 = arith.constant 0 : i32
    %c0_i32_0 = arith.constant 0 : i32
    return %arg0, %c0_i32 : i32, i32
  }
  func.func @transform_1(%arg0: i32) -> (i32, i32, i32) {
    %jit3A = arith.constant 5 : i32
    %div3A = arith.divsi %arg0, %jit3A : i32
    %sign3A = arith.constant 0 : i32
    %sign3A_0 = arith.cmpi sgt, %arg0, %sign3A : i32
    %sign3A_1 = arith.extui %sign3A_0 : i1 to i32
    %sign3A_2 = arith.constant 0 : i32
    %sign3A_3 = arith.cmpi slt, %arg0, %sign3A_2 : i32
    %sign3A_4 = arith.extui %sign3A_3 : i1 to i32
    %sign3A_5 = arith.subi %sign3A_1, %sign3A_4 : i32
    %sign3A_6 = arith.constant 0 : i32
    %sign3A_7 = arith.cmpi sgt, %jit3A, %sign3A_6 : i32
    %sign3A_8 = arith.extui %sign3A_7 : i1 to i32
    %sign3A_9 = arith.constant 0 : i32
    %sign3A_10 = arith.cmpi slt, %jit3A, %sign3A_9 : i32
    %sign3A_11 = arith.extui %sign3A_10 : i1 to i32
    %sign3A_12 = arith.subi %sign3A_8, %sign3A_11 : i32
    %ne3A = arith.cmpi ne, %sign3A_5, %sign3A_12 : i32
    %rem3A = arith.remsi %arg0, %jit3A : i32
    %ne3A_13 = arith.constant 0 : i32
    %ne3A_14 = arith.cmpi ne, %rem3A, %ne3A_13 : i32
    %and3A = arith.andi %ne3A, %ne3A_14 : i1
    %sub3A = arith.constant 1 : i32
    %sub3A_15 = arith.subi %div3A, %sub3A : i32
    %select_n3A = arith.select %and3A, %sub3A_15, %div3A : i32
    %jit3A_16 = arith.constant 5 : i32
    %eq3A = arith.constant 0 : i32
    %eq3A_17 = arith.cmpi eq, %jit3A_16, %eq3A : i32
    %jit3A_18 = arith.constant 1 : i32
    %select_n3A_19 = arith.select %eq3A_17, %jit3A_18, %jit3A_16 : i32
    %rem3A_20 = arith.remsi %arg0, %select_n3A_19 : i32
    %ne3A_21 = arith.constant 0 : i32
    %ne3A_22 = arith.cmpi ne, %rem3A_20, %ne3A_21 : i32
    %lt3A = arith.constant 0 : i32
    %lt3A_23 = arith.cmpi slt, %rem3A_20, %lt3A : i32
    %lt3A_24 = arith.constant 0 : i32
    %lt3A_25 = arith.cmpi slt, %select_n3A_19, %lt3A_24 : i32
    %ne3A_26 = arith.xori %lt3A_23, %lt3A_25 : i1
    %and3A_27 = arith.andi %ne3A_26, %ne3A_22 : i1
    %add3A = arith.addi %rem3A_20, %select_n3A_19 : i32
    %select_n3A_28 = arith.select %and3A_27, %add3A, %rem3A_20 : i32
    %c0_i32 = arith.constant 0 : i32
    %c0_i32_29 = arith.constant 0 : i32
    return %select_n3A, %select_n3A_28, %c0_i32 : i32, i32, i32
  }
  func.func @transform_2(%arg0: i32) -> (i32, i32) {
    %c0_i32 = arith.constant 0 : i32
    %c0_i32_0 = arith.constant 0 : i32
    return %arg0, %c0_i32 : i32, i32
  }
  func.func @transform_3(%arg0: i32) -> (i32, i32) {
    %c0_i32 = arith.constant 0 : i32
    %c0_i32_0 = arith.constant 0 : i32
    %c0_i32_1 = arith.constant 0 : i32
    return %c0_i32, %c0_i32_0 : i32, i32
  }
  func.func @transform_4(%arg0: i32) -> (i32, i32) {
    %c0_i32 = arith.constant 0 : i32
    %c0_i32_0 = arith.constant 0 : i32
    %c0_i32_1 = arith.constant 0 : i32
    return %c0_i32, %c0_i32_0 : i32, i32
  }
  func.func @transform_5(%arg0: i32) -> (i32, i32) {
    %c0_i32 = arith.constant 0 : i32
    %c0_i32_0 = arith.constant 0 : i32
    return %arg0, %c0_i32 : i32, i32
  }
}

</mosaic_0001>

<sc_bundles>
// kernel: kernel.5.cloned.1.call-start
scs
__scs_entry_jumppad:
0x0: {  	(pc) =	sbr.rel $0x88, $3  }
0x1: {  	(tag) =	ssettag $0x0;
	lr =	simm.s32 $0x1  }
0x2: {  	[smem:$0x3F9B] =	sst lr;
	_ =	strace $0xD0000000  }
0x3: {  	_ = 	snop  }
0x4: {  	_ = 	snop  }
0x5: {  	_ = 	snop  }
0x6: {  	_ = 	snop  }
0x7: {  	_ = 	snop  }
__scs_overlays_trampoline_lowered:
0x8: {  	[smem:$0x3FAA] =	sst s0  }
0x9: {  	[smem:$0x3FAB] =	sst s1  }
0xa: {  	[smem:$0x3FAC] =	sst s2  }
0xb: {  	[smem:$0x3FAD] =	sst s3  }
0xc: {  	[smem:$0x3FAE] =	sst s4  }
0xd: {  	[smem:$0x3FAF] =	sst s5  }
0xe: {  	[smem:$0x3FB0] =	sst s6  }
0xf: {  	[smem:$0x3FB1] =	sst s7  }
0x10: {  	[smem:$0x3FB2] =	sst s8  }
0x11: {  	[smem:$0x3FB3] =	sst s9;
	s0 =	simm.s32 @!p0 $0x0  }
0x12: {  	s1 =	sld [smem:$0x3F99];
	s0 =	simm.s32 @p0 $0x1  }
0x13: {  	[smem:$0x3FB4] =	sst s0;
	s0 =	simm.s32 @!p1 $0x0  }
0x14: {  	s2 =	sld [smem:$0x3F98];
	s0 =	simm.s32 @p1 $0x1  }
0x15: {  	[smem:$0x3FB5] =	sst s0;
	s0 =	simm.s32 @!p2 $0x0  }
0x16: {  	s3 =	sld [smem:$0x3FDB];
	s0 =	simm.s32 @p2 $0x1  }
0x17: {  	s4 =	simm.s32 $0x1BF5;
	[smem:$0x3FB7] =	sst s0  }
0x18: {  	s0 =	sld [smem:$0x3F9A];
	_ =	swait.ge [sflag:s4], $0x0  }
0x19: {  	s7 =	sld [smem:$0x3F9B]  }
0x1a: {  	s8 =	sadd.s32 $0xFFFFE003, lr  }
0x1b: {  	s9 =	sadd.s32 $0xFFFFFEF7, lr;
	s5 =	simm.s32 $0xFFFFFFFF;
	p2 =	slt.u32 s8, $0xFFFFF086  }
0x1c: {  	p1 =	slt.u32 s9, $0xF7A;
	s5 =	simm.s32 @!p2 $0x0  }
0x1d: {  	s5 =	simm.s32 @p1 $0x1;
	p0 =	seq.s32 s7, s2  }
0x1e: {  	s7 =	smul.u32 @!p0 $0xF7A, s2;
	p2 =	seq.s32 @!p0 s5, $0x0  }
0x1f: {  	s9 =	smul.u32 $0xF7A, s1;
	s8 =	simm.s32 @!p0 $0x1BF5;
	p2 =	por !p2, p0  }
0x20: {  	[sflag:s8] =	ssyncset.s32 @!p0 $0xFFFFF086;
	s6 =	sadd.s32 @!p0 s3, s7;
	s7 =	simm.s32 @!p0 $0x108  }
0x21: {  	s3 =	sadd.s32 s3, s9;
	s6 =	sadd.s32 @!p0 $0x88, s6;
	s7 =	simm.s32 @p2 $0x1082  }
0x22: {  	[simem:s7], [sflag:s8] =	dma.local @!p0 [hbm:s6], $0xF7A  }
0x23: {  	s9 =	sor.u32 $0xD0000000, s2;
	s6 =	simm.s32 $0x108;
	_ =	swait.ge @!p0 [sflag:s8], $0x0  }
0x24: {  	s3 =	sadd.s32 $0x88, s3;
	s6 =	simm.s32 @!p1 $0x1082;
	[sflag:s4] =	ssyncset.s32 $0xFFFFF086  }
0x25: {  	[simem:s6], [sflag:s4] =	dma.local [hbm:s3], $0xF7A  }
0x26: {  	[smem:$0x3F9B] =	sst s1;
	(tag) =	ssettag s2;
	_ =	strace s9  }
0x27: {  	s1 =	sld [smem:$0x3FAB]  }
0x28: {  	s2 =	sld [smem:$0x3FAC]  }
0x29: {  	s4 =	sld [smem:$0x3FAE]  }
0x2a: {  	p0 =	seq.s32 s5, $0x0;
	s5 =	sld [smem:$0x3FAF]  }
0x2b: {  	s6 =	sld [smem:$0x3FB0]  }
0x2c: {  	s7 =	sld [smem:$0x3FB1]  }
0x2d: {  	s3 =	simm.s32 $0x108;
	s8 =	sld [smem:$0x3FB2]  }
0x2e: {  	s3 =	simm.s32 @!p0 $0x1082;
	s9 =	sld [smem:$0x3FB3]  }
0x2f: {  	lr =	sadd.s32 s0, s3;
	s0 =	sld [smem:$0x3FAA]  }
0x30: {  	s3 =	sld [smem:$0x3FAD]  }
0x31: {  	[smem:$0x3FB6] =	sst s10  }
0x32: {  	s10 =	sld [smem:$0x3FB4];
	_ =	sdelay $0x3  }
0x33: {  	p0 =	seq.s32 s10, $0x1;
	s10 =	sld [smem:$0x3FB6];
	_ =	sdelay $0x3  }
0x34: {  	[smem:$0x3FB6] =	sst s10  }
0x35: {  	s10 =	sld [smem:$0x3FB5];
	_ =	sdelay $0x3  }
0x36: {  	p1 =	seq.s32 s10, $0x1;
	s10 =	sld [smem:$0x3FB6];
	_ =	sdelay $0x3  }
0x37: {  	[smem:$0x3FB6] =	sst s10  }
0x38: {  	s10 =	sld [smem:$0x3FB7]  }
0x39: {  	_ = 	snop;
	(pc) =	sbr.ind lr, $3  }
0x3a: {  	_ = 	snop  }
0x3b: {  	_ = 	snop  }
0x3c: {  	p2 =	seq.s32 s10, $0x1;
	s10 =	sld [smem:$0x3FB6]  }
0x3d: {  	_ =	shalt  }
0x3e: {  	_ =	shalt  }
0x3f: {  	_ =	shalt  }
0x40: {  	_ =	shalt  }
0x41: {  	_ =	shalt  }
0x42: {  	_ =	shalt  }
0x43: {  	_ =	shalt  }
0x44: {  	_ =	shalt  }
0x45: {  	_ =	shalt  }
0x46: {  	_ =	shalt  }
0x47: {  	_ =	shalt  }
0x48: {  	_ =	shalt  }
0x49: {  	_ =	shalt  }
0x4a: {  	_ =	shalt  }
0x4b: {  	_ =	shalt  }
0x4c: {  	_ =	shalt  }
0x4d: {  	_ =	shalt  }
0x4e: {  	_ =	shalt  }
0x4f: {  	_ =	shalt  }
0x50: {  	_ =	shalt  }
0x51: {  	_ =	shalt  }
0x52: {  	_ =	shalt  }
0x53: {  	_ =	shalt  }
0x54: {  	_ =	shalt  }
0x55: {  	_ =	shalt  }
0x56: {  	_ =	shalt  }
0x57: {  	_ =	shalt  }
0x58: {  	_ =	shalt  }
0x59: {  	_ =	shalt  }
0x5a: {  	_ =	shalt  }
0x5b: {  	_ =	shalt  }
0x5c: {  	_ =	shalt  }
0x5d: {  	_ =	shalt  }
0x5e: {  	_ =	shalt  }
0x5f: {  	_ =	shalt  }
0x60: {  	_ =	shalt  }
0x61: {  	_ =	shalt  }
0x62: {  	_ =	shalt  }
0x63: {  	_ =	shalt  }
0x64: {  	_ =	shalt  }
0x65: {  	_ =	shalt  }
0x66: {  	_ =	shalt  }
0x67: {  	_ =	shalt  }
0x68: {  	_ =	shalt  }
0x69: {  	_ =	shalt  }
0x6a: {  	_ =	shalt  }
0x6b: {  	_ =	shalt  }
0x6c: {  	_ =	shalt  }
0x6d: {  	_ =	shalt  }
0x6e: {  	_ =	shalt  }
0x6f: {  	_ =	shalt  }
0x70: {  	_ =	shalt  }
0x71: {  	_ =	shalt  }
0x72: {  	_ =	shalt  }
0x73: {  	_ =	shalt  }
0x74: {  	_ =	shalt  }
0x75: {  	_ =	shalt  }
0x76: {  	_ =	shalt  }
0x77: {  	_ =	shalt  }
0x78: {  	_ =	shalt  }
0x79: {  	_ =	shalt  }
0x7a: {  	_ =	shalt  }
0x7b: {  	_ =	shalt  }
0x7c: {  	_ =	shalt  }
0x7d: {  	_ =	shalt  }
0x7e: {  	_ =	shalt  }
0x7f: {  	_ =	shalt  }
0x80: {  	_ =	shalt  }
0x81: {  	_ =	shalt  }
0x82: {  	_ =	shalt  }
0x83: {  	_ =	shalt  }
0x84: {  	_ =	shalt  }
0x85: {  	_ =	shalt  }
0x86: {  	_ =	shalt  }
0x87: {  	_ =	shalt  }
.Lfunc_end0:
.L_simem_size_0:
called_computation_lowered:
.L_overlay_start_0:
0x88: {  	s2 =	sld [smem:$0x3FD9]  }
0x89: {  	s3 =	sld [smem:$0x3FFE];
	_ =	sdelay $0x1  }
0x8a: {  	s1 =	srdreg.scid  }
0x8b: {  	s0 =	sand.u32 $0x1, s1  }
0x8c: {  	s17 =	sshll.u32 s0, $0xA;
	s2 =	sadd.s32 s3, s2  }
0x8d: {  	s2 =	sadd.s32 s2, s17  }
0x8e: {  	[smem:$0x3FC2] =	sst s2  }
0x8f: {  	_ = 	snop  }
0x90: {  	s2 =	sld [smem:$0x3FD0];
	(tm) =	ssettm $0x1  }
0x91: {  	s18 =	sld [smem:$0x3FFB];
	_ =	sdelay $0x3  }
0x92: {  	_ =	strace s18  }
0x93: {  	s3 =	sld [smem:$0x3FFC];
	_ =	sdelay $0x3  }
0x94: {  	_ =	strace s3  }
0x95: {  	s3 =	sld [smem:$0x3FFD];
	_ =	sdelay $0x3  }
0x96: {  	_ =	strace s3  }
0x97: {  	_ =	strace $0x8FFFFFFF  }
0x98: {  	s19 =	sld [smem:$0x3FDB];
	_ =	sdelay $0x1  }
0x99: {  	s4 =	simm.s32 $_scs_section_size  }
0x9a: {  	s5 =	simm.s32 $_size__tile_overlayer_lowered;
	s6 =	simm.s32 $_tile_overlayer_lowered  }
0x9b: {  	s22 =	simm.s32 $0x1BFF;
	s21 =	sshll.u32 s6, $0x1;
	s3 =	sadd.s32 s4, s19  }
0x9c: {  	s7 =	simm.s32 $0x0;
	s20 =	sshll.u32 s5, $0x1;
	s5 =	sadd.s32 s21, s3  }
0x9d: {  	[timem:s7], [sflag:s22] =	dma.local [hbm:s5], s20  }
0x9e: {  	_ =	swait.ge [sflag:s22], s20  }
0x9f: {  	s4 =	ssub.s32 $0x0, s20;
	[sflag:s22] =	ssyncset.done $0x0  }
0xa0: {  	[sflag:s22] =	ssyncadd.s32 s4;
	_ =	sdelay $0x1  }
0xa1: {  	s23 =	simm.s32 $0x1B8B  }
0xa2: {  	_ =	swait.ge [sflag:s23], $0x1  }
0xa3: {  	[sflag:s23] =	ssyncset.done $0x0  }
0xa4: {  	s25 =	simm.s32 $0x1B8E;
	s24 =	sld [smem:$0x3FFE];
	[sflag:s23] =	ssyncadd.s32 $0xFFFFFFFF  }
0xa5: {  	s26 =	simm.s32 $execute0_lowered;
	[smem:$0x3FD2] =	sst s25  }
0xa6: {  	s5 =	sshll.u32 s26, $0x1;
	_ =	strace $0x80000046;
	[dreg:$0x1] =	wrdreg $0xFFFFFFFF  }
0xa7: {  	s28 =	simm.s32 $_size_execute0_lowered;
	s3 =	sadd.s32 s3, s5;
	[dreg:$0x0] =	wrdreg $0x0  }
0xa8: {  	s5 =	sshll.u32 s28, $0x1;
	[dreg:$0x2] =	wrdreg s3  }
0xa9: {  	[dreg:$0x3] =	wrdreg s5  }
0xaa: {  	[dreg:$0x4] =	wrdreg $0xC0  }
0xab: {  	_ =	task [dreg:s7], $0x5FFFF  }
0xac: {  	[dreg:$0x1] =	wrdreg $0xFFFFFFFF  }
0xad: {  	[dreg:$0x0] =	wrdreg $0x60  }
0xae: {  	[dreg:$0x2] =	wrdreg s24  }
0xaf: {  	[dreg:$0x3] =	wrdreg s2  }
0xb0: {  	[dreg:$0x4] =	wrdreg $0x150000  }
0xb1: {  	[dreg:$0x5] =	wrdreg $0x9  }
0xb2: {  	_ =	task.clear_ibuf [dreg:s7], $0x6FFFF;
	_ =	strace $0x90000046  }
0xb3: {  	s29 =	simm.s32 $0x9;
	_ =	strace $0x80000048  }
0xb4: {  	_ =	swait.ge [sflag:s29], $0x1  }
0xb5: {  	[sflag:s29] =	ssyncadd.s32 $0xFFFFFFFF  }
0xb6: {  	_ =	strace $0x90000048  }
0xb7: {  	_ =	sfence  }
0xb8: {  	s30 =	sld [smem:$0x0];
	_ =	sdelay $0x2  }
0xb9: {  	s31 =	sshll.u32 s1, $0xD;
	s1 =	sshrl.u32 s1, $0x2  }
0xba: {  	s3 =	sand.u32 $0x4000, s31;
	s1 =	sadd.s32 s1, s30  }
0xbb: {  	s0 =	sor.u32 s3, s0;
	s1 =	sshll.u32 s1, $0x11  }
0xbc: {  	s0 =	sor.u32 s1, s0  }
0xbd: {  	s0 =	sadd.s32 $0x8F2B, s0  }
0xbe: {  	[sflag:s0] =	ssyncadd.remote.s32 $0x1  }
0xbf: {  	_ =	sfence.sel $0xFFFF  }
0xc0: {  	[dreg:$0x0] =	wrdreg $0xFFFFFFFF;
	(pc) =	sbr.abs _section_cstart, $3  }
0xc1: {  	[dreg:$0x1] =	wrdreg $0xFFFFFFFF  }
0xc2: {  	_ =	task.clear_ibuf [dreg:s7], $0x2FFFF;
	_ =	strace $0x9FFFFFFF  }
0xc3: {  	(tm) =	ssettm $0x7FFFFFFF  }
tec
execute0_lowered:
.L_overlay_start_1:
0x0: {  	(tag) =	ssettag $0x1  }
0x1: {  	s5 =	rddreg [dreg:$0x0]  }
0x2: {  	s12 =	rddreg [dreg:$0x1]  }
0x3: {  	s2 =	rddreg [dreg:$0x2]  }
0x4: {  	s0 =	rddreg [dreg:$0x3]  }
0x5: {  	s3 =	simm.s32 $0x0;
	s1 =	stileid.u32;
	s6 =	srdreg.scid  }
0x6: {  	s16 =	simm.s32 $0x8000;
	s17 =	simm.s32 $0x50;
	s18 =	simm.s32 $0x80  }
0x7: {  	s19 =	simm.s32 $0x12800;
	s20 =	simm.s32 $0x1;
	s21 =	simm.s32 $0x2  }
0x8: {  	s22 =	simm.s32 $0xFC00;
	s23 =	simm.s32 $0xFC80;
	[smem:$0x7FF] =	sst s3  }
0x9: {  	s7 =	smul.u32 $0x28000, s1;
	s4 =	sadd.s32 $0x31000, s5;
	s8 =	sshll.u32 s1, $0xC  }
0xa: {  	s9 =	sand.u32 $0x1, s6;
	s14 =	smul.u32 $0xA000, s1;
	_ =	strace $0x80000047  }
0xb: {  	s10 =	sadd.s32 s8, s5;
	s6 =	ssub.s32 $0x2, s9;
	s11 =	smul.u32 $0xA0000, s9  }
0xc: {  	s15 =	sshll.u32 s9, $0x10;
	s30 =	sshrl.u32 s7, $0x2;
	s31 =	sshrl.u32 s6, $0x1  }
0xd: {  	s15 =	sadd.s32 s15, s10;
	s10 =	sadd.s32 $0x1000, s10;
	s5 =	sadd.s32 s30, s2  }
0xe: {  	s13 =	ssub.s32 s6, s31;
	s14 =	sadd.s32 s14, s11;
	s11 =	sadd.s32 $0x11000, s15  }
0xf: {  	s15 =	simm.s32 $0x3;
	s6 =	sadd.s32 $0x2000, s5;
	s7 =	sadd.s32 $0x4000, s5  }
0x10: {  	s8 =	sadd.s32 $0x6000, s5;
	s9 =	sadd.s32 $0x8000, s5;
	s14 =	sshrl.u32 s14, $0x3  }
0x11: {  	v0 =	vimm.f32 $0.0e+00;
	s13 =	smax.u32 s13, $0x1;
	s12 =	sadd.s32 s12, s14;
	s14 =	simm.s32 $0x10000  }
.LBB2_1:
0x12: {  	s24 =	simm.s32 $0x0;
	s25 =	simm.s32 $0x200  }
.LBB2_2:
0x13: {  	p0 =	sne.s32 s25, $0x7E00;
	[tilespmem:s24+$0x10070] =	vst v0  }
0x14: {  	[tilespmem:s24+$0x10000] =	vst v0  }
0x15: {  	[tilespmem:s24+$0x10010] =	vst v0  }
.Ltmp0:
0x16: {  	[tilespmem:s24+$0x10020] =	vst v0;
	(pc) =	sbr.rel @p0 .LBB2_2-.Ltmp0, $4  }
0x17: {  	[tilespmem:s24+$0x10030] =	vst v0  }
0x18: {  	[tilespmem:s24+$0x10040] =	vst v0  }
0x19: {  	[tilespmem:s24+$0x10050] =	vst v0  }
0x1a: {  	[tilespmem:s24+$0x10060] =	vst v0;
	s24 =	sshra.s32 s25, $0x2;
	s25 =	sadd.s32 $0x200, s25  }
0x1b: {  	[tilespmem:s24+$0x10070] =	vst v0  }
0x1c: {  	[tilespmem:s24+$0x10000] =	vst v0  }
0x1d: {  	[tilespmem:s24+$0x10010] =	vst v0  }
0x1e: {  	[tilespmem:s24+$0x10020] =	vst v0  }
0x1f: {  	[tilespmem:s24+$0x10030] =	vst v0  }
0x20: {  	[tilespmem:s24+$0x10040] =	vst v0  }
0x21: {  	[tilespmem:s24+$0x10050] =	vst v0  }
0x22: {  	[tilespmem:s24+$0x10060] =	vst v0  }
0x23: {  	[spmem:s5] =	stream.linear.scatter [tilespmem:s14], [sflag:$0x3], $0x2000, $0x38;
	[tilespmem:$0x1F000] =	vst v63  }
0x24: {  	_ =	swait.ge [sflag:s15], $0x2000  }
0x25: {  	[sflag:s15] =	ssyncset.done $0x0  }
0x26: {  	[sflag:s15] =	ssyncadd.s32 $0xFFFFE000  }
0x27: {  	[spmem:s6] =	stream.linear.scatter [tilespmem:s14], [sflag:$0x3], $0x2000, $0x38;
	[tilespmem:$0x1F000] =	vst v63  }
0x28: {  	_ =	swait.ge [sflag:s15], $0x2000  }
0x29: {  	[sflag:s15] =	ssyncset.done $0x0  }
0x2a: {  	[sflag:s15] =	ssyncadd.s32 $0xFFFFE000  }
0x2b: {  	[spmem:s7] =	stream.linear.scatter [tilespmem:s14], [sflag:$0x3], $0x2000, $0x38;
	[tilespmem:$0x1F000] =	vst v63  }
0x2c: {  	_ =	swait.ge [sflag:s15], $0x2000  }
0x2d: {  	[sflag:s15] =	ssyncset.done $0x0  }
0x2e: {  	[sflag:s15] =	ssyncadd.s32 $0xFFFFE000  }
0x2f: {  	[spmem:s8] =	stream.linear.scatter [tilespmem:s14], [sflag:$0x3], $0x2000, $0x38;
	[tilespmem:$0x1F000] =	vst v63  }
0x30: {  	_ =	swait.ge [sflag:s15], $0x2000  }
0x31: {  	[sflag:s15] =	ssyncset.done $0x0  }
0x32: {  	[sflag:s15] =	ssyncadd.s32 $0xFFFFE000  }
0x33: {  	[spmem:s9] =	stream.linear.scatter [tilespmem:s14], [sflag:$0x3], $0x2000, $0x38;
	[tilespmem:$0x1F000] =	vst v63  }
0x34: {  	_ =	swait.ge [sflag:s15], $0x2000  }
0x35: {  	[sflag:s15] =	ssyncset.done $0x0  }
0x36: {  	s28 =	simm.s32 $0x0;
	[sflag:s15] =	ssyncadd.s32 $0xFFFFE000  }
0x37: {  	[tilespmem:s28], [sflag:$0x3] =	stream.linear.gather [hbm4b:s10+s28], $0x7D00, $0x38;
	[tilespmem:$0x1F000] =	vst v63  }
0x38: {  	_ =	swait.ge [sflag:s15], $0x7D00  }
0x39: {  	[sflag:s15] =	ssyncset.done $0x0  }
0x3a: {  	[sflag:s15] =	ssyncadd.s32 $0xFFFF8300  }
0x3b: {  	[tilespmem:s16], [sflag:$0x3] =	stream.linear.gather [hbm4b:s11+s28], $0x7D00, $0x38;
	[tilespmem:$0x1F000] =	vst v63  }
0x3c: {  	_ =	swait.ge [sflag:s15], $0x7D00  }
0x3d: {  	[sflag:s15] =	ssyncset.done $0x0  }
0x3e: {  	[sflag:s15] =	ssyncadd.s32 $0xFFFF8300  }
0x3f: {  	[bflag:$0x0] =	sbarrier.arrive $0xFFFF  }
0x40: {  	[tilespmem:s14], [sflag:$0x1] =	stream.indirect.gather [hbm4b:s4+s17], $0x80, s28, s17, $0xb8;
	[tilespmem:$0x1F000] =	vst v63  }
0x41: {  	_ = 	snop  }
0x42: {  	[tilespmem:s19], [sflag:$0x2] =	stream.indirect.gather [hbm4b:s4+s17], $0x80, s18, s17, $0xb8;
	[tilespmem:$0x1F000] =	vst v63  }
0x43: {  	_ =	swait.ge [sflag:s20], $0x2800  }
0x44: {  	[sflag:s20] =	ssyncset.done $0x0  }
0x45: {  	s29 =	simm.s32 $0x8000;
	[sflag:s20] =	ssyncadd.s32 $0xFFFFD800  }
0x46: {  	[spmem:s2] =	stream.indirect.scatter.add.f32 [tilespmem:s14], [sflag:$0x3], $0x80, s29, s17, $0xb8;
	[tilespmem:$0x1F000] =	vst v63  }
0x47: {  	_ =	swait.ge [sflag:s15], $0x2800  }
0x48: {  	[sflag:s15] =	ssyncset.done $0x0  }
0x49: {  	s30 =	simm.s32 $0x100;
	[sflag:s15] =	ssyncadd.s32 $0xFFFFD800  }
0x4a: {  	[tilespmem:s14], [sflag:$0x1] =	stream.indirect.gather [hbm4b:s4+s17], $0x80, s30, s17, $0xb8;
	[tilespmem:$0x1F000] =	vst v63  }
0x4b: {  	_ =	swait.ge [sflag:s21], $0x2800  }
0x4c: {  	[sflag:s21] =	ssyncset.done $0x0  }
0x4d: {  	s31 =	simm.s32 $0x8080;
	[sflag:s21] =	ssyncadd.s32 $0xFFFFD800  }
0x4e: {  	[spmem:s2] =	stream.indirect.scatter.add.f32 [tilespmem:s19], [sflag:$0x3], $0x80, s31, s17, $0xb8;
	[tilespmem:$0x1F000] =	vst v63  }
0x4f: {  	_ =	swait.ge [sflag:s15], $0x2800  }
0x50: {  	[sflag:s15] =	ssyncset.done $0x0  }
0x51: {  	s24 =	simm.s32 $0x400;
	s25 =	simm.s32 $0x180;
	[sflag:s15] =	ssyncadd.s32 $0xFFFFD800  }
.LBB2_4:
0x52: {  	[tilespmem:s19], [sflag:$0x2] =	stream.indirect.gather [hbm4b:s4+s17], $0x80, s25, s17, $0xb8;
	[tilespmem:$0x1F000] =	vst v63  }
0x53: {  	s25 =	smov.u32 s24  }
0x54: {  	p0 =	sne.s32 s24, $0x1EC00;
	s24 =	sadd.s32 $0x400, s24;
	_ =	swait.ge [sflag:s20], $0x2800  }
0x55: {  	s25 =	sshra.s32 s25, $0x2;
	[sflag:s20] =	ssyncset.done $0x0  }
0x56: {  	s26 =	sadd.s32 $0x8000, s25;
	[sflag:s20] =	ssyncadd.s32 $0xFFFFD800  }
0x57: {  	[spmem:s2] =	stream.indirect.scatter.add.f32 [tilespmem:s14], [sflag:$0x3], $0x80, s26, s17, $0xb8;
	[tilespmem:$0x1F000] =	vst v63  }
0x58: {  	_ =	swait.ge [sflag:s15], $0x2800  }
0x59: {  	[sflag:s15] =	ssyncset.done $0x0  }
0x5a: {  	s26 =	sadd.s32 $0x100, s25;
	[sflag:s15] =	ssyncadd.s32 $0xFFFFD800  }
0x5b: {  	[tilespmem:s14], [sflag:$0x1] =	stream.indirect.gather [hbm4b:s4+s17], $0x80, s26, s17, $0xb8;
	[tilespmem:$0x1F000] =	vst v63  }
0x5c: {  	_ =	swait.ge [sflag:s21], $0x2800  }
0x5d: {  	[sflag:s21] =	ssyncset.done $0x0  }
.Ltmp1:
0x5e: {  	s26 =	sadd.s32 $0x8080, s25;
	[sflag:s21] =	ssyncadd.s32 $0xFFFFD800;
	(pc) =	sbr.rel @p0 .LBB2_4-.Ltmp1, $4  }
0x5f: {  	[spmem:s2] =	stream.indirect.scatter.add.f32 [tilespmem:s19], [sflag:$0x3], $0x80, s26, s17, $0xb8;
	[tilespmem:$0x1F000] =	vst v63  }
0x60: {  	_ =	swait.ge [sflag:s15], $0x2800  }
0x61: {  	[sflag:s15] =	ssyncset.done $0x0  }
0x62: {  	s25 =	sadd.s32 $0x180, s25;
	[sflag:s15] =	ssyncadd.s32 $0xFFFFD800  }
0x63: {  	[tilespmem:s19], [sflag:$0x2] =	stream.indirect.gather [hbm4b:s4+s17], $0x80, s25, s17, $0xb8;
	[tilespmem:$0x1F000] =	vst v63  }
0x64: {  	_ =	swait.ge [sflag:s20], $0x2800  }
0x65: {  	[sflag:s20] =	ssyncset.done $0x0  }
0x66: {  	[sflag:s20] =	ssyncadd.s32 $0xFFFFD800  }
0x67: {  	[spmem:s2] =	stream.indirect.scatter.add.f32 [tilespmem:s14], [sflag:$0x3], $0x80, s22, s17, $0xb8;
	[tilespmem:$0x1F000] =	vst v63  }
0x68: {  	_ =	swait.ge [sflag:s15], $0x2800  }
0x69: {  	[sflag:s15] =	ssyncset.done $0x0  }
0x6a: {  	[sflag:s15] =	ssyncadd.s32 $0xFFFFD800  }
0x6b: {  	_ =	swait.ge [sflag:s21], $0x2800  }
0x6c: {  	[sflag:s21] =	ssyncset.done $0x0  }
0x6d: {  	[sflag:s21] =	ssyncadd.s32 $0xFFFFD800  }
0x6e: {  	[spmem:s2] =	stream.indirect.scatter.add.f32 [tilespmem:s19], [sflag:$0x3], $0x80, s23, s17, $0xb8;
	[tilespmem:$0x1F000] =	vst v63  }
0x6f: {  	_ =	swait.ge [sflag:s15], $0x2800  }
0x70: {  	s24 =	sshll.u32 s1, $0x6;
	s3 =	sadd.s32 $0x1, s3;
	[sflag:s15] =	ssyncset.done $0x0  }
0x71: {  	s31 =	sshrl.u32 s5, $0x3;
	p0 =	sne.s32 s3, s13;
	[sflag:s15] =	ssyncadd.s32 $0xFFFFD800  }
.Ltmp2:
0x72: {  	s24 =	sor.u32 $0x1C03, s24;
	[bflag:$0x0] =	sbarrier.arrive $0xFFFF;
	(pc) =	sbr.rel @p0 .LBB2_1-.Ltmp2, $4  }
0x73: {  	[hbm:s12], [sflag:s24] =	dma.local [spmem:s31], $0x1400  }
0x74: {  	_ =	swait.ge [sflag:s15], $0x1400  }
0x75: {  	[sflag:s15] =	ssyncset.done $0x0  }
0x76: {  	[sflag:s15] =	ssyncadd.s32 $0xFFFFEC00  }
0x77: {  	_ =	sfence.sel $0x180000  }
0x78: {  	[bflag:$0x0] =	sbarrier.arrive $0xFFFF  }
0x79: {  	p0 =	sne.s32 s1, $0x0;
	_ =	strace $0x90000047  }
0x7a: {  	s0 =	sadd.s32 @!p0 $0x100000, s0;
	[bflag:$0x2] =	sbarrier.arrive $0xFFFF  }
0x7b: {  	[sflag:s0] =	ssyncadd.tile.s32 @!p0 $0x1;
	_ =	shalt  }
.Lfunc_end2:
_tile_overlayer_lowered:
.L_overlay_start_2:
0x7c: {  	(tag) =	ssettag $0x2  }
0x7d: {  	s0 =	rddreg [dreg:$0x0];
	s2 =	stileid.u32  }
0x7e: {  	s1 =	rddreg [dreg:$0x1];
	p0 =	sne.s32 s2, $0x0  }
0x7f: {  	s3 =	rddreg [dreg:$0x2];
	[bflag:$0x3] =	sbarrier.arrive $0xFFFF;
	s2 =	simm.s32 @!p0 $0x1C03  }
0x80: {  	[timem:s3], [sflag:s2] =	dma.local @!p0 [hbm:s0], s1  }
0x81: {  	s0 =	simm.s32 @!p0 $0x3  }
0x82: {  	_ =	swait.ge @!p0 [sflag:s0], s1  }
0x83: {  	s1 =	ssub.s32 @!p0 $0x0, s1;
	[sflag:s0] =	ssyncset.done @!p0 $0x0  }
0x84: {  	[sflag:s0] =	ssyncadd.s32 @!p0 s1  }
0x85: {  	[bflag:$0x3] =	sbarrier.arrive $0xFFFF  }
0x86: {  	_ =	shalt  }

</sc_bundles>
